<compile_context>
chip_gen: v7x
topology: tpu7x:2x2x1
jax: 0.10.2.dev20260603
libtpu: 0.0.44.dev20260713+nightly
codegen_flags: <defaults>
</compile_context>

<pallas_src>
import functools

import jax
import jax.numpy as jnp
from jax import lax
from jax.experimental import pallas as pl
from jax.experimental.pallas import tpu as pltpu
from jax.experimental.pallas import tpu_sc as plsc

NUM_CORES = 2
NUM_SUBCORES = 16
NUM_WORKERS = NUM_CORES * NUM_SUBCORES
LANES = 16
BATCH = 16384
D = 32
ROWS_PER_TILE = 8
NTILES = 1000000 // ROWS_PER_TILE
BPW = BATCH // NUM_WORKERS
CH = 128
NPASS = BPW // CH


def _mf_body(uidx_hbm, iidx_hbm, utab_hbm, itab_hbm, out_hbm,
             uidx_v, iidx_v, ubuf_v, ibuf_v, out_v, sem):
    utab3 = utab_hbm.reshape(NTILES, ROWS_PER_TILE, D)
    itab3 = itab_hbm.reshape(NTILES, ROWS_PER_TILE, D)
    wid = lax.axis_index("s") * NUM_CORES + lax.axis_index("c")
    base = wid * BPW

    pltpu.sync_copy(uidx_hbm.at[pl.ds(base, BPW)], uidx_v)
    pltpu.sync_copy(iidx_hbm.at[pl.ds(base, BPW)], iidx_v)

    row_iota = lax.iota(jnp.int32, LANES)

    def pass_body(p, _):
        def fire(b, _):
            cu = uidx_v[pl.ds(p * CH + b * LANES, LANES)]
            ci = iidx_v[pl.ds(p * CH + b * LANES, LANES)]
            for k in range(LANES):
                slot = b * LANES + k
                ru = cu[k]
                ri = ci[k]
                if k % 8 < 3:
                    pltpu.async_copy(utab_hbm.at[ru], ubuf_v.at[slot], sem)
                    pltpu.async_copy(itab_hbm.at[ri], ibuf_v.at[slot], sem)
                else:
                    pltpu.async_copy(
                        utab3.at[lax.shift_right_logical(ru, 3), ru & 7],
                        ubuf_v.at[slot], sem)
                    pltpu.async_copy(
                        itab3.at[lax.shift_right_logical(ri, 3), ri & 7],
                        ibuf_v.at[slot], sem)
            return 0

        lax.fori_loop(0, CH // LANES, fire, 0)
        pltpu.make_async_copy(utab_hbm.at[pl.ds(0, CH)], ubuf_v,
                              sem).wait()
        pltpu.make_async_copy(itab_hbm.at[pl.ds(0, CH)], ibuf_v,
                              sem).wait()

        def block_body(b, _):
            islot = b * LANES + row_iota

            def col_body(j, acc):
                jv = jnp.zeros((LANES,), jnp.int32) + j
                u = plsc.load_gather(ubuf_v, [islot, jv])
                v = plsc.load_gather(ibuf_v, [islot, jv])
                return acc + u * v

            acc = lax.fori_loop(0, D, col_body,
                                jnp.zeros((LANES,), jnp.float32))
            out_v[pl.ds(p * CH + b * LANES, LANES)] = (
                1.0 / (1.0 + jnp.exp(-acc)))
            return 0

        lax.fori_loop(0, CH // LANES, block_body, 0)
        return 0

    lax.fori_loop(0, NPASS, pass_body, 0)

    pltpu.sync_copy(out_v, out_hbm.at[pl.ds(base, BPW)])


_mf_kernel = functools.partial(
    pl.kernel,
    out_type=jax.ShapeDtypeStruct((BATCH,), jnp.float32),
    mesh=plsc.VectorSubcoreMesh(core_axis_name="c", subcore_axis_name="s"),
    scratch_types=[
        pltpu.VMEM((BPW,), jnp.int32),
        pltpu.VMEM((BPW,), jnp.int32),
        pltpu.VMEM((CH, D), jnp.float32),
        pltpu.VMEM((CH, D), jnp.float32),
        pltpu.VMEM((BPW,), jnp.float32),
        pltpu.SemaphoreType.DMA,
    ],
    compiler_params=pltpu.CompilerParams(needs_layout_passes=False,
                                         use_tc_tiling_on_sc=True),
)(_mf_body)


@jax.jit
def kernel(user_input, item_input, user_table, item_table):
    return _mf_kernel(
        user_input.astype(jnp.int32),
        item_input.astype(jnp.int32),
        user_table, item_table)

# --- scband reference (transcript-rebuilt; emitter-appended) ---
"""Pipeline reference for scband-mf-32444182954410 (READ-ONLY COPY).

The authoritative reference and input builder live on the scoring server;
editing this copy changes nothing except your own understanding.
"""

import jax, jax.numpy as jnp
import numpy as np

NUM_USERS = 1000000
NUM_ITEMS = 1000000
LATENT_DIM = 32
BATCH = 16384


def setup_inputs(seed: int = 0) -> dict:
    key = jax.random.key(seed)
    k1, k2, k3, k4 = jax.random.split(key, 4)
    user_input = jax.random.randint(k1, (BATCH,), 0, NUM_USERS, dtype=jnp.int64 if jax.config.jax_enable_x64 else jnp.int32)
    item_input = jax.random.randint(k2, (BATCH,), 0, NUM_ITEMS, dtype=jnp.int64 if jax.config.jax_enable_x64 else jnp.int32)
    user_table = jax.random.normal(k3, (NUM_USERS, LATENT_DIM), dtype=jnp.float32)
    item_table = jax.random.normal(k4, (NUM_ITEMS, LATENT_DIM), dtype=jnp.float32)
    return {
        "user_input": user_input,
        "item_input": item_input,
        "user_table": user_table,
        "item_table": item_table,
    }


def reference(user_input, item_input, user_table, item_table):
    # MF.forward: embedding lookups, elementwise product, sum over latent dim, sigmoid
    mf_user_vector = jnp.take(user_table, user_input, axis=0)  # [B, D]
    mf_item_vector = jnp.take(item_table, item_input, axis=0)  # [B, D]
    predict_vector = mf_user_vector * mf_item_vector
    prediction = jnp.sum(predict_vector, axis=1)
    prediction = jax.nn.sigmoid(prediction)
    return prediction

if __name__ == "__main__":
    import jax
    _d = setup_inputs()
    print(jax.jit(kernel)(*tuple(_d.values())))

</pallas_src>

<mosaic_0001>
#map = affine_map<(d0, d1) -> (0)>
#map1 = affine_map<(d0, d1) -> (0, 0)>
module attributes {stable_mosaic.version = 14 : i64} {
  func.func @_mf_body(%arg0: i32, %arg1: i32, %arg2: memref<16384xi32, #tpu.memory_space<hbm>>, %arg3: memref<16384xi32, #tpu.memory_space<hbm>>, %arg4: memref<1000000x32xf32, #tpu.memory_space<hbm>>, %arg5: memref<1000000x32xf32, #tpu.memory_space<hbm>>, %arg6: memref<16384xf32, #tpu.memory_space<hbm>>, %arg7: memref<512xi32, #tpu.memory_space<vmem>>, %arg8: memref<512xi32, #tpu.memory_space<vmem>>, %arg9: memref<128x32xf32, #tpu.memory_space<vmem>>, %arg10: memref<128x32xf32, #tpu.memory_space<vmem>>, %arg11: memref<512xf32, #tpu.memory_space<vmem>>, %arg12: memref<!tpu.dma_semaphore, #tpu.memory_space<semaphore_mem>>) attributes {dimension_semantics = [#tpu.dimension_semantics<core_parallel>, #tpu.dimension_semantics<subcore_parallel>], iteration_bounds = array<i64: 2, 16>, scalar_prefetch = 0 : i64, scratch_operands = 6 : i64, tpu.core_type = #tpu.core_type<sc_vector_subcore>, window_params = [{transform_indices = #map}, {transform_indices = #map}, {transform_indices = #map1}, {transform_indices = #map1}, {transform_indices = #map}]} {
    %mul3A = arith.constant 2 : i32
    %mul3A_0 = arith.muli %arg1, %mul3A : i32
    %add3A = arith.addi %mul3A_0, %arg0 : i32
    %mul3A_1 = arith.constant 512 : i32
    %mul3A_2 = arith.muli %add3A, %mul3A_1 : i32
    "tpu.region"() ({
      %run_scoped3A = tpu.sem_alloc : memref<!tpu.dma_semaphore, #tpu.memory_space<semaphore_mem>>
      %dma_start3A = tpu.memref_slice %arg2[%mul3A_2] : memref<16384xi32, #tpu.memory_space<hbm>> -> memref<512xi32, #tpu.memory_space<hbm>>
      %dma_start3A_9 = tpu.memref_slice %arg2[%mul3A_2] : memref<16384xi32, #tpu.memory_space<hbm>> -> memref<512xi32, #tpu.memory_space<hbm>>
      tpu.enqueue_dma source(%dma_start3A_9 : memref<512xi32, #tpu.memory_space<hbm>>) target(%arg7 : memref<512xi32, #tpu.memory_space<vmem>>) target_semaphore(%run_scoped3A : memref<!tpu.dma_semaphore, #tpu.memory_space<semaphore_mem>>)
      %dma_wait3A = tpu.memref_slice %arg2[%mul3A_2] : memref<16384xi32, #tpu.memory_space<hbm>> -> memref<512xi32, #tpu.memory_space<hbm>>
      %dma_wait3A_10 = tpu.memref_slice %arg2[%mul3A_2] : memref<16384xi32, #tpu.memory_space<hbm>> -> memref<512xi32, #tpu.memory_space<hbm>>
      tpu.wait_dma2 semaphore(%run_scoped3A : memref<!tpu.dma_semaphore, #tpu.memory_space<semaphore_mem>>) src(%dma_wait3A_10 : memref<512xi32, #tpu.memory_space<hbm>>) dst(%arg7 : memref<512xi32, #tpu.memory_space<vmem>>)
      tpu.yield
    }) : () -> ()
    "tpu.region"() ({
      %run_scoped3A = tpu.sem_alloc : memref<!tpu.dma_semaphore, #tpu.memory_space<semaphore_mem>>
      %dma_start3A = tpu.memref_slice %arg3[%mul3A_2] : memref<16384xi32, #tpu.memory_space<hbm>> -> memref<512xi32, #tpu.memory_space<hbm>>
      %dma_start3A_9 = tpu.memref_slice %arg3[%mul3A_2] : memref<16384xi32, #tpu.memory_space<hbm>> -> memref<512xi32, #tpu.memory_space<hbm>>
      tpu.enqueue_dma source(%dma_start3A_9 : memref<512xi32, #tpu.memory_space<hbm>>) target(%arg8 : memref<512xi32, #tpu.memory_space<vmem>>) target_semaphore(%run_scoped3A : memref<!tpu.dma_semaphore, #tpu.memory_space<semaphore_mem>>)
      %dma_wait3A = tpu.memref_slice %arg3[%mul3A_2] : memref<16384xi32, #tpu.memory_space<hbm>> -> memref<512xi32, #tpu.memory_space<hbm>>
      %dma_wait3A_10 = tpu.memref_slice %arg3[%mul3A_2] : memref<16384xi32, #tpu.memory_space<hbm>> -> memref<512xi32, #tpu.memory_space<hbm>>
      tpu.wait_dma2 semaphore(%run_scoped3A : memref<!tpu.dma_semaphore, #tpu.memory_space<semaphore_mem>>) src(%dma_wait3A_10 : memref<512xi32, #tpu.memory_space<hbm>>) dst(%arg8 : memref<512xi32, #tpu.memory_space<vmem>>)
      tpu.yield
    }) : () -> ()
    %iota3A = tpu.iota {dimensions = array<i32: 0>} : vector<16xi32>
    %scan3A = arith.constant 0 : i32
    %scan3A_3 = arith.constant 0 : i32
    %scan3A_4 = arith.constant 4 : i32
    %scan3A_5 = arith.addi %scan3A_3, %scan3A_4 : i32
    %scan3A_6 = arith.constant 1 : i32
    %scan3A_7 = scf.for %scan3A_9 = %scan3A_3 to %scan3A_5 step %scan3A_6 iter_args(%scan3A_10 = %scan3A) -> (i32)  : i32 {
      %scan3A_11 = arith.constant 0 : i32
      %scan3A_12 = arith.constant 0 : i32
      %scan3A_13 = arith.constant 8 : i32
      %scan3A_14 = arith.addi %scan3A_12, %scan3A_13 : i32
      %scan3A_15 = arith.constant 1 : i32
      %scan3A_16 = scf.for %scan3A_37 = %scan3A_12 to %scan3A_14 step %scan3A_15 iter_args(%scan3A_38 = %scan3A_11) -> (i32)  : i32 {
        %mul3A_39 = arith.constant 128 : i32
        %mul3A_40 = arith.muli %scan3A_9, %mul3A_39 : i32
        %mul3A_41 = arith.constant 16 : i32
        %mul3A_42 = arith.muli %scan3A_37, %mul3A_41 : i32
        %add3A_43 = arith.addi %mul3A_40, %mul3A_42 : i32
        %get3A = arith.index_cast %add3A_43 : i32 to index
        %get3A_44 = tpu.vector_load %arg7[%get3A] {strides = array<i32>} : memref<512xi32, #tpu.memory_space<vmem>>, vector<16xi32>,
        %mul3A_45 = arith.constant 128 : i32
        %mul3A_46 = arith.muli %scan3A_9, %mul3A_45 : i32
        %mul3A_47 = arith.constant 16 : i32
        %mul3A_48 = arith.muli %scan3A_37, %mul3A_47 : i32
        %add3A_49 = arith.addi %mul3A_46, %mul3A_48 : i32
        %get3A_50 = arith.index_cast %add3A_49 : i32 to index
        %get3A_51 = tpu.vector_load %arg8[%get3A_50] {strides = array<i32>} : memref<512xi32, #tpu.memory_space<vmem>>, vector<16xi32>,
        %mul3A_52 = arith.constant 16 : i32
        %mul3A_53 = arith.muli %scan3A_37, %mul3A_52 : i32
        %add3A_54 = arith.constant 0 : i32
        %add3A_55 = arith.addi %mul3A_53, %add3A_54 : i32
        %slice3A = vector.extract_strided_slice %get3A_44 {offsets = [0], sizes = [1], strides = [1]} : vector<16xi32> to vector<1xi32>
        %squeeze3A = vector.extract %slice3A[0] : i32 from vector<1xi32>
        %slice3A_56 = vector.extract_strided_slice %get3A_51 {offsets = [0], sizes = [1], strides = [1]} : vector<16xi32> to vector<1xi32>
        %squeeze3A_57 = vector.extract %slice3A_56[0] : i32 from vector<1xi32>
        %dma_start3A = arith.constant 0 : i32
        %dma_start3A_58 = tpu.memref_slice %arg9[%add3A_55, %dma_start3A] : memref<128x32xf32, #tpu.memory_space<vmem>> -> memref<1x32xf32, #tpu.memory_space<vmem>>
        %dma_start3A_59 = tpu.memref_squeeze %dma_start3A_58 : memref<1x32xf32, #tpu.memory_space<vmem>> -> memref<32xf32, #tpu.memory_space<vmem>>
        %dma_start3A_60 = arith.constant 0 : i32
        %dma_start3A_61 = tpu.memref_slice %arg4[%squeeze3A, %dma_start3A_60] : memref<1000000x32xf32, #tpu.memory_space<hbm>> -> memref<1x32xf32, #tpu.memory_space<hbm>>
        %dma_start3A_62 = tpu.memref_squeeze %dma_start3A_61 : memref<1x32xf32, #tpu.memory_space<hbm>> -> memref<32xf32, #tpu.memory_space<hbm>>
        %dma_start3A_63 = arith.constant 0 : i32
        %dma_start3A_64 = tpu.memref_slice %arg9[%add3A_55, %dma_start3A_63] : memref<128x32xf32, #tpu.memory_space<vmem>> -> memref<1x32xf32, #tpu.memory_space<vmem>>
        %dma_start3A_65 = tpu.memref_squeeze %dma_start3A_64 : memref<1x32xf32, #tpu.memory_space<vmem>> -> memref<32xf32, #tpu.memory_space<vmem>>
        %dma_start3A_66 = arith.constant 0 : i32
        %dma_start3A_67 = tpu.memref_slice %arg4[%squeeze3A, %dma_start3A_66] : memref<1000000x32xf32, #tpu.memory_space<hbm>> -> memref<1x32xf32, #tpu.memory_space<hbm>>
        %dma_start3A_68 = tpu.memref_squeeze %dma_start3A_67 : memref<1x32xf32, #tpu.memory_space<hbm>> -> memref<32xf32, #tpu.memory_space<hbm>>
        tpu.enqueue_dma source(%dma_start3A_68 : memref<32xf32, #tpu.memory_space<hbm>>) target(%dma_start3A_65 : memref<32xf32, #tpu.memory_space<vmem>>) target_semaphore(%arg12 : memref<!tpu.dma_semaphore, #tpu.memory_space<semaphore_mem>>)
        %dma_start3A_69 = arith.constant 0 : i32
        %dma_start3A_70 = tpu.memref_slice %arg10[%add3A_55, %dma_start3A_69] : memref<128x32xf32, #tpu.memory_space<vmem>> -> memref<1x32xf32, #tpu.memory_space<vmem>>
        %dma_start3A_71 = tpu.memref_squeeze %dma_start3A_70 : memref<1x32xf32, #tpu.memory_space<vmem>> -> memref<32xf32, #tpu.memory_space<vmem>>
        %dma_start3A_72 = arith.constant 0 : i32
        %dma_start3A_73 = tpu.memref_slice %arg5[%squeeze3A_57, %dma_start3A_72] : memref<1000000x32xf32, #tpu.memory_space<hbm>> -> memref<1x32xf32, #tpu.memory_space<hbm>>
        %dma_start3A_74 = tpu.memref_squeeze %dma_start3A_73 : memref<1x32xf32, #tpu.memory_space<hbm>> -> memref<32xf32, #tpu.memory_space<hbm>>
        %dma_start3A_75 = arith.constant 0 : i32
        %dma_start3A_76 = tpu.memref_slice %arg10[%add3A_55, %dma_start3A_75] : memref<128x32xf32, #tpu.memory_space<vmem>> -> memref<1x32xf32, #tpu.memory_space<vmem>>
        %dma_start3A_77 = tpu.memref_squeeze %dma_start3A_76 : memref<1x32xf32, #tpu.memory_space<vmem>> -> memref<32xf32, #tpu.memory_space<vmem>>
        %dma_start3A_78 = arith.constant 0 : i32
        %dma_start3A_79 = tpu.memref_slice %arg5[%squeeze3A_57, %dma_start3A_78] : memref<1000000x32xf32, #tpu.memory_space<hbm>> -> memref<1x32xf32, #tpu.memory_space<hbm>>
        %dma_start3A_80 = tpu.memref_squeeze %dma_start3A_79 : memref<1x32xf32, #tpu.memory_space<hbm>> -> memref<32xf32, #tpu.memory_space<hbm>>
        tpu.enqueue_dma source(%dma_start3A_80 : memref<32xf32, #tpu.memory_space<hbm>>) target(%dma_start3A_77 : memref<32xf32, #tpu.memory_space<vmem>>) target_semaphore(%arg12 : memref<!tpu.dma_semaphore, #tpu.memory_space<semaphore_mem>>)
        %mul3A_81 = arith.constant 16 : i32
        %mul3A_82 = arith.muli %scan3A_37, %mul3A_81 : i32
        %add3A_83 = arith.constant 1 : i32
        %add3A_84 = arith.addi %mul3A_82, %add3A_83 : i32
        %slice3A_85 = vector.extract_strided_slice %get3A_44 {offsets = [1], sizes = [1], strides = [1]} : vector<16xi32> to vector<1xi32>
        %squeeze3A_86 = vector.extract %slice3A_85[0] : i32 from vector<1xi32>
        %slice3A_87 = vector.extract_strided_slice %get3A_51 {offsets = [1], sizes = [1], strides = [1]} : vector<16xi32> to vector<1xi32>
        %squeeze3A_88 = vector.extract %slice3A_87[0] : i32 from vector<1xi32>
        %dma_start3A_89 = arith.constant 0 : i32
        %dma_start3A_90 = tpu.memref_slice %arg9[%add3A_84, %dma_start3A_89] : memref<128x32xf32, #tpu.memory_space<vmem>> -> memref<1x32xf32, #tpu.memory_space<vmem>>
        %dma_start3A_91 = tpu.memref_squeeze %dma_start3A_90 : memref<1x32xf32, #tpu.memory_space<vmem>> -> memref<32xf32, #tpu.memory_space<vmem>>
        %dma_start3A_92 = arith.constant 0 : i32
        %dma_start3A_93 = tpu.memref_slice %arg4[%squeeze3A_86, %dma_start3A_92] : memref<1000000x32xf32, #tpu.memory_space<hbm>> -> memref<1x32xf32, #tpu.memory_space<hbm>>
        %dma_start3A_94 = tpu.memref_squeeze %dma_start3A_93 : memref<1x32xf32, #tpu.memory_space<hbm>> -> memref<32xf32, #tpu.memory_space<hbm>>
        %dma_start3A_95 = arith.constant 0 : i32
        %dma_start3A_96 = tpu.memref_slice %arg9[%add3A_84, %dma_start3A_95] : memref<128x32xf32, #tpu.memory_space<vmem>> -> memref<1x32xf32, #tpu.memory_space<vmem>>
        %dma_start3A_97 = tpu.memref_squeeze %dma_start3A_96 : memref<1x32xf32, #tpu.memory_space<vmem>> -> memref<32xf32, #tpu.memory_space<vmem>>
        %dma_start3A_98 = arith.constant 0 : i32
        %dma_start3A_99 = tpu.memref_slice %arg4[%squeeze3A_86, %dma_start3A_98] : memref<1000000x32xf32, #tpu.memory_space<hbm>> -> memref<1x32xf32, #tpu.memory_space<hbm>>
        %dma_start3A_100 = tpu.memref_squeeze %dma_start3A_99 : memref<1x32xf32, #tpu.memory_space<hbm>> -> memref<32xf32, #tpu.memory_space<hbm>>
        tpu.enqueue_dma source(%dma_start3A_100 : memref<32xf32, #tpu.memory_space<hbm>>) target(%dma_start3A_97 : memref<32xf32, #tpu.memory_space<vmem>>) target_semaphore(%arg12 : memref<!tpu.dma_semaphore, #tpu.memory_space<semaphore_mem>>)
        %dma_start3A_101 = arith.constant 0 : i32
        %dma_start3A_102 = tpu.memref_slice %arg10[%add3A_84, %dma_start3A_101] : memref<128x32xf32, #tpu.memory_space<vmem>> -> memref<1x32xf32, #tpu.memory_space<vmem>>
        %dma_start3A_103 = tpu.memref_squeeze %dma_start3A_102 : memref<1x32xf32, #tpu.memory_space<vmem>> -> memref<32xf32, #tpu.memory_space<vmem>>
        %dma_start3A_104 = arith.constant 0 : i32
        %dma_start3A_105 = tpu.memref_slice %arg5[%squeeze3A_88, %dma_start3A_104] : memref<1000000x32xf32, #tpu.memory_space<hbm>> -> memref<1x32xf32, #tpu.memory_space<hbm>>
        %dma_start3A_106 = tpu.memref_squeeze %dma_start3A_105 : memref<1x32xf32, #tpu.memory_space<hbm>> -> memref<32xf32, #tpu.memory_space<hbm>>
        %dma_start3A_107 = arith.constant 0 : i32
        %dma_start3A_108 = tpu.memref_slice %arg10[%add3A_84, %dma_start3A_107] : memref<128x32xf32, #tpu.memory_space<vmem>> -> memref<1x32xf32, #tpu.memory_space<vmem>>
        %dma_start3A_109 = tpu.memref_squeeze %dma_start3A_108 : memref<1x32xf32, #tpu.memory_space<vmem>> -> memref<32xf32, #tpu.memory_space<vmem>>
        %dma_start3A_110 = arith.constant 0 : i32
        %dma_start3A_111 = tpu.memref_slice %arg5[%squeeze3A_88, %dma_start3A_110] : memref<1000000x32xf32, #tpu.memory_space<hbm>> -> memref<1x32xf32, #tpu.memory_space<hbm>>
        %dma_start3A_112 = tpu.memref_squeeze %dma_start3A_111 : memref<1x32xf32, #tpu.memory_space<hbm>> -> memref<32xf32, #tpu.memory_space<hbm>>
        tpu.enqueue_dma source(%dma_start3A_112 : memref<32xf32, #tpu.memory_space<hbm>>) target(%dma_start3A_109 : memref<32xf32, #tpu.memory_space<vmem>>) target_semaphore(%arg12 : memref<!tpu.dma_semaphore, #tpu.memory_space<semaphore_mem>>)
        %mul3A_113 = arith.constant 16 : i32
        %mul3A_114 = arith.muli %scan3A_37, %mul3A_113 : i32
        %add3A_115 = arith.constant 2 : i32
        %add3A_116 = arith.addi %mul3A_114, %add3A_115 : i32
        %slice3A_117 = vector.extract_strided_slice %get3A_44 {offsets = [2], sizes = [1], strides = [1]} : vector<16xi32> to vector<1xi32>
        %squeeze3A_118 = vector.extract %slice3A_117[0] : i32 from vector<1xi32>
        %slice3A_119 = vector.extract_strided_slice %get3A_51 {offsets = [2], sizes = [1], strides = [1]} : vector<16xi32> to vector<1xi32>
        %squeeze3A_120 = vector.extract %slice3A_119[0] : i32 from vector<1xi32>
        %dma_start3A_121 = arith.constant 0 : i32
        %dma_start3A_122 = tpu.memref_slice %arg9[%add3A_116, %dma_start3A_121] : memref<128x32xf32, #tpu.memory_space<vmem>> -> memref<1x32xf32, #tpu.memory_space<vmem>>
        %dma_start3A_123 = tpu.memref_squeeze %dma_start3A_122 : memref<1x32xf32, #tpu.memory_space<vmem>> -> memref<32xf32, #tpu.memory_space<vmem>>
        %dma_start3A_124 = arith.constant 0 : i32
        %dma_start3A_125 = tpu.memref_slice %arg4[%squeeze3A_118, %dma_start3A_124] : memref<1000000x32xf32, #tpu.memory_space<hbm>> -> memref<1x32xf32, #tpu.memory_space<hbm>>
        %dma_start3A_126 = tpu.memref_squeeze %dma_start3A_125 : memref<1x32xf32, #tpu.memory_space<hbm>> -> memref<32xf32, #tpu.memory_space<hbm>>
        %dma_start3A_127 = arith.constant 0 : i32
        %dma_start3A_128 = tpu.memref_slice %arg9[%add3A_116, %dma_start3A_127] : memref<128x32xf32, #tpu.memory_space<vmem>> -> memref<1x32xf32, #tpu.memory_space<vmem>>
        %dma_start3A_129 = tpu.memref_squeeze %dma_start3A_128 : memref<1x32xf32, #tpu.memory_space<vmem>> -> memref<32xf32, #tpu.memory_space<vmem>>
        %dma_start3A_130 = arith.constant 0 : i32
        %dma_start3A_131 = tpu.memref_slice %arg4[%squeeze3A_118, %dma_start3A_130] : memref<1000000x32xf32, #tpu.memory_space<hbm>> -> memref<1x32xf32, #tpu.memory_space<hbm>>
        %dma_start3A_132 = tpu.memref_squeeze %dma_start3A_131 : memref<1x32xf32, #tpu.memory_space<hbm>> -> memref<32xf32, #tpu.memory_space<hbm>>
        tpu.enqueue_dma source(%dma_start3A_132 : memref<32xf32, #tpu.memory_space<hbm>>) target(%dma_start3A_129 : memref<32xf32, #tpu.memory_space<vmem>>) target_semaphore(%arg12 : memref<!tpu.dma_semaphore, #tpu.memory_space<semaphore_mem>>)
        %dma_start3A_133 = arith.constant 0 : i32
        %dma_start3A_134 = tpu.memref_slice %arg10[%add3A_116, %dma_start3A_133] : memref<128x32xf32, #tpu.memory_space<vmem>> -> memref<1x32xf32, #tpu.memory_space<vmem>>
        %dma_start3A_135 = tpu.memref_squeeze %dma_start3A_134 : memref<1x32xf32, #tpu.memory_space<vmem>> -> memref<32xf32, #tpu.memory_space<vmem>>
        %dma_start3A_136 = arith.constant 0 : i32
        %dma_start3A_137 = tpu.memref_slice %arg5[%squeeze3A_120, %dma_start3A_136] : memref<1000000x32xf32, #tpu.memory_space<hbm>> -> memref<1x32xf32, #tpu.memory_space<hbm>>
        %dma_start3A_138 = tpu.memref_squeeze %dma_start3A_137 : memref<1x32xf32, #tpu.memory_space<hbm>> -> memref<32xf32, #tpu.memory_space<hbm>>
        %dma_start3A_139 = arith.constant 0 : i32
        %dma_start3A_140 = tpu.memref_slice %arg10[%add3A_116, %dma_start3A_139] : memref<128x32xf32, #tpu.memory_space<vmem>> -> memref<1x32xf32, #tpu.memory_space<vmem>>
        %dma_start3A_141 = tpu.memref_squeeze %dma_start3A_140 : memref<1x32xf32, #tpu.memory_space<vmem>> -> memref<32xf32, #tpu.memory_space<vmem>>
        %dma_start3A_142 = arith.constant 0 : i32
        %dma_start3A_143 = tpu.memref_slice %arg5[%squeeze3A_120, %dma_start3A_142] : memref<1000000x32xf32, #tpu.memory_space<hbm>> -> memref<1x32xf32, #tpu.memory_space<hbm>>
        %dma_start3A_144 = tpu.memref_squeeze %dma_start3A_143 : memref<1x32xf32, #tpu.memory_space<hbm>> -> memref<32xf32, #tpu.memory_space<hbm>>
        tpu.enqueue_dma source(%dma_start3A_144 : memref<32xf32, #tpu.memory_space<hbm>>) target(%dma_start3A_141 : memref<32xf32, #tpu.memory_space<vmem>>) target_semaphore(%arg12 : memref<!tpu.dma_semaphore, #tpu.memory_space<semaphore_mem>>)
        %mul3A_145 = arith.constant 16 : i32
        %mul3A_146 = arith.muli %scan3A_37, %mul3A_145 : i32
        %add3A_147 = arith.constant 3 : i32
        %add3A_148 = arith.addi %mul3A_146, %add3A_147 : i32
        %slice3A_149 = vector.extract_strided_slice %get3A_44 {offsets = [3], sizes = [1], strides = [1]} : vector<16xi32> to vector<1xi32>
        %squeeze3A_150 = vector.extract %slice3A_149[0] : i32 from vector<1xi32>
        %slice3A_151 = vector.extract_strided_slice %get3A_51 {offsets = [3], sizes = [1], strides = [1]} : vector<16xi32> to vector<1xi32>
        %squeeze3A_152 = vector.extract %slice3A_151[0] : i32 from vector<1xi32>
        %shift_right_logical3A = arith.constant 3 : i32
        %shift_right_logical3A_153 = arith.shrui %squeeze3A_150, %shift_right_logical3A : i32
        %and3A = arith.constant 7 : i32
        %and3A_154 = arith.andi %squeeze3A_150, %and3A : i32
        %dma_start3A_155 = arith.constant 0 : i32
        %dma_start3A_156 = tpu.memref_slice %arg9[%add3A_148, %dma_start3A_155] : memref<128x32xf32, #tpu.memory_space<vmem>> -> memref<1x32xf32, #tpu.memory_space<vmem>>
        %dma_start3A_157 = tpu.memref_squeeze %dma_start3A_156 : memref<1x32xf32, #tpu.memory_space<vmem>> -> memref<32xf32, #tpu.memory_space<vmem>>
        %dma_start3A_158 = tpu.memref_reshape %arg4 : memref<1000000x32xf32, #tpu.memory_space<hbm>> -> memref<125000x8x32xf32, #tpu.memory_space<hbm>>
        %dma_start3A_159 = arith.constant 0 : i32
        %dma_start3A_160 = tpu.memref_slice %dma_start3A_158[%shift_right_logical3A_153, %and3A_154, %dma_start3A_159] : memref<125000x8x32xf32, #tpu.memory_space<hbm>> -> memref<1x1x32xf32, #tpu.memory_space<hbm>>
        %dma_start3A_161 = tpu.memref_squeeze %dma_start3A_160 : memref<1x1x32xf32, #tpu.memory_space<hbm>> -> memref<32xf32, #tpu.memory_space<hbm>>
        %dma_start3A_162 = arith.constant 0 : i32
        %dma_start3A_163 = tpu.memref_slice %arg9[%add3A_148, %dma_start3A_162] : memref<128x32xf32, #tpu.memory_space<vmem>> -> memref<1x32xf32, #tpu.memory_space<vmem>>
        %dma_start3A_164 = tpu.memref_squeeze %dma_start3A_163 : memref<1x32xf32, #tpu.memory_space<vmem>> -> memref<32xf32, #tpu.memory_space<vmem>>
        %dma_start3A_165 = tpu.memref_reshape %arg4 : memref<1000000x32xf32, #tpu.memory_space<hbm>> -> memref<125000x8x32xf32, #tpu.memory_space<hbm>>
        %dma_start3A_166 = arith.constant 0 : i32
        %dma_start3A_167 = tpu.memref_slice %dma_start3A_165[%shift_right_logical3A_153, %and3A_154, %dma_start3A_166] : memref<125000x8x32xf32, #tpu.memory_space<hbm>> -> memref<1x1x32xf32, #tpu.memory_space<hbm>>
        %dma_start3A_168 = tpu.memref_squeeze %dma_start3A_167 : memref<1x1x32xf32, #tpu.memory_space<hbm>> -> memref<32xf32, #tpu.memory_space<hbm>>
        tpu.enqueue_dma source(%dma_start3A_168 : memref<32xf32, #tpu.memory_space<hbm>>) target(%dma_start3A_164 : memref<32xf32, #tpu.memory_space<vmem>>) target_semaphore(%arg12 : memref<!tpu.dma_semaphore, #tpu.memory_space<semaphore_mem>>)
        %shift_right_logical3A_169 = arith.constant 3 : i32
        %shift_right_logical3A_170 = arith.shrui %squeeze3A_152, %shift_right_logical3A_169 : i32
        %and3A_171 = arith.constant 7 : i32
        %and3A_172 = arith.andi %squeeze3A_152, %and3A_171 : i32
        %dma_start3A_173 = arith.constant 0 : i32
        %dma_start3A_174 = tpu.memref_slice %arg10[%add3A_148, %dma_start3A_173] : memref<128x32xf32, #tpu.memory_space<vmem>> -> memref<1x32xf32, #tpu.memory_space<vmem>>
        %dma_start3A_175 = tpu.memref_squeeze %dma_start3A_174 : memref<1x32xf32, #tpu.memory_space<vmem>> -> memref<32xf32, #tpu.memory_space<vmem>>
        %dma_start3A_176 = tpu.memref_reshape %arg5 : memref<1000000x32xf32, #tpu.memory_space<hbm>> -> memref<125000x8x32xf32, #tpu.memory_space<hbm>>
        %dma_start3A_177 = arith.constant 0 : i32
        %dma_start3A_178 = tpu.memref_slice %dma_start3A_176[%shift_right_logical3A_170, %and3A_172, %dma_start3A_177] : memref<125000x8x32xf32, #tpu.memory_space<hbm>> -> memref<1x1x32xf32, #tpu.memory_space<hbm>>
        %dma_start3A_179 = tpu.memref_squeeze %dma_start3A_178 : memref<1x1x32xf32, #tpu.memory_space<hbm>> -> memref<32xf32, #tpu.memory_space<hbm>>
        %dma_start3A_180 = arith.constant 0 : i32
        %dma_start3A_181 = tpu.memref_slice %arg10[%add3A_148, %dma_start3A_180] : memref<128x32xf32, #tpu.memory_space<vmem>> -> memref<1x32xf32, #tpu.memory_space<vmem>>
        %dma_start3A_182 = tpu.memref_squeeze %dma_start3A_181 : memref<1x32xf32, #tpu.memory_space<vmem>> -> memref<32xf32, #tpu.memory_space<vmem>>
        %dma_start3A_183 = tpu.memref_reshape %arg5 : memref<1000000x32xf32, #tpu.memory_space<hbm>> -> memref<125000x8x32xf32, #tpu.memory_space<hbm>>
        %dma_start3A_184 = arith.constant 0 : i32
        %dma_start3A_185 = tpu.memref_slice %dma_start3A_183[%shift_right_logical3A_170, %and3A_172, %dma_start3A_184] : memref<125000x8x32xf32, #tpu.memory_space<hbm>> -> memref<1x1x32xf32, #tpu.memory_space<hbm>>
        %dma_start3A_186 = tpu.memref_squeeze %dma_start3A_185 : memref<1x1x32xf32, #tpu.memory_space<hbm>> -> memref<32xf32, #tpu.memory_space<hbm>>
        tpu.enqueue_dma source(%dma_start3A_186 : memref<32xf32, #tpu.memory_space<hbm>>) target(%dma_start3A_182 : memref<32xf32, #tpu.memory_space<vmem>>) target_semaphore(%arg12 : memref<!tpu.dma_semaphore, #tpu.memory_space<semaphore_mem>>)
        %mul3A_187 = arith.constant 16 : i32
        %mul3A_188 = arith.muli %scan3A_37, %mul3A_187 : i32
        %add3A_189 = arith.constant 4 : i32
        %add3A_190 = arith.addi %mul3A_188, %add3A_189 : i32
        %slice3A_191 = vector.extract_strided_slice %get3A_44 {offsets = [4], sizes = [1], strides = [1]} : vector<16xi32> to vector<1xi32>
        %squeeze3A_192 = vector.extract %slice3A_191[0] : i32 from vector<1xi32>
        %slice3A_193 = vector.extract_strided_slice %get3A_51 {offsets = [4], sizes = [1], strides = [1]} : vector<16xi32> to vector<1xi32>
        %squeeze3A_194 = vector.extract %slice3A_193[0] : i32 from vector<1xi32>
        %shift_right_logical3A_195 = arith.constant 3 : i32
        %shift_right_logical3A_196 = arith.shrui %squeeze3A_192, %shift_right_logical3A_195 : i32
        %and3A_197 = arith.constant 7 : i32
        %and3A_198 = arith.andi %squeeze3A_192, %and3A_197 : i32
        %dma_start3A_199 = arith.constant 0 : i32
        %dma_start3A_200 = tpu.memref_slice %arg9[%add3A_190, %dma_start3A_199] : memref<128x32xf32, #tpu.memory_space<vmem>> -> memref<1x32xf32, #tpu.memory_space<vmem>>
        %dma_start3A_201 = tpu.memref_squeeze %dma_start3A_200 : memref<1x32xf32, #tpu.memory_space<vmem>> -> memref<32xf32, #tpu.memory_space<vmem>>
        %dma_start3A_202 = tpu.memref_reshape %arg4 : memref<1000000x32xf32, #tpu.memory_space<hbm>> -> memref<125000x8x32xf32, #tpu.memory_space<hbm>>
        %dma_start3A_203 = arith.constant 0 : i32
        %dma_start3A_204 = tpu.memref_slice %dma_start3A_202[%shift_right_logical3A_196, %and3A_198, %dma_start3A_203] : memref<125000x8x32xf32, #tpu.memory_space<hbm>> -> memref<1x1x32xf32, #tpu.memory_space<hbm>>
        %dma_start3A_205 = tpu.memref_squeeze %dma_start3A_204 : memref<1x1x32xf32, #tpu.memory_space<hbm>> -> memref<32xf32, #tpu.memory_space<hbm>>
        %dma_start3A_206 = arith.constant 0 : i32
        %dma_start3A_207 = tpu.memref_slice %arg9[%add3A_190, %dma_start3A_206] : memref<128x32xf32, #tpu.memory_space<vmem>> -> memref<1x32xf32, #tpu.memory_space<vmem>>
        %dma_start3A_208 = tpu.memref_squeeze %dma_start3A_207 : memref<1x32xf32, #tpu.memory_space<vmem>> -> memref<32xf32, #tpu.memory_space<vmem>>
        %dma_start3A_209 = tpu.memref_reshape %arg4 : memref<1000000x32xf32, #tpu.memory_space<hbm>> -> memref<125000x8x32xf32, #tpu.memory_space<hbm>>
        %dma_start3A_210 = arith.constant 0 : i32
        %dma_start3A_211 = tpu.memref_slice %dma_start3A_209[%shift_right_logical3A_196, %and3A_198, %dma_start3A_210] : memref<125000x8x32xf32, #tpu.memory_space<hbm>> -> memref<1x1x32xf32, #tpu.memory_space<hbm>>
        %dma_start3A_212 = tpu.memref_squeeze %dma_start3A_211 : memref<1x1x32xf32, #tpu.memory_space<hbm>> -> memref<32xf32, #tpu.memory_space<hbm>>
        tpu.enqueue_dma source(%dma_start3A_212 : memref<32xf32, #tpu.memory_space<hbm>>) target(%dma_start3A_208 : memref<32xf32, #tpu.memory_space<vmem>>) target_semaphore(%arg12 : memref<!tpu.dma_semaphore, #tpu.memory_space<semaphore_mem>>)
        %shift_right_logical3A_213 = arith.constant 3 : i32
        %shift_right_logical3A_214 = arith.shrui %squeeze3A_194, %shift_right_logical3A_213 : i32
        %and3A_215 = arith.constant 7 : i32
        %and3A_216 = arith.andi %squeeze3A_194, %and3A_215 : i32
        %dma_start3A_217 = arith.constant 0 : i32
        %dma_start3A_218 = tpu.memref_slice %arg10[%add3A_190, %dma_start3A_217] : memref<128x32xf32, #tpu.memory_space<vmem>> -> memref<1x32xf32, #tpu.memory_space<vmem>>
        %dma_start3A_219 = tpu.memref_squeeze %dma_start3A_218 : memref<1x32xf32, #tpu.memory_space<vmem>> -> memref<32xf32, #tpu.memory_space<vmem>>
        %dma_start3A_220 = tpu.memref_reshape %arg5 : memref<1000000x32xf32, #tpu.memory_space<hbm>> -> memref<125000x8x32xf32, #tpu.memory_space<hbm>>
        %dma_start3A_221 = arith.constant 0 : i32
        %dma_start3A_222 = tpu.memref_slice %dma_start3A_220[%shift_right_logical3A_214, %and3A_216, %dma_start3A_221] : memref<125000x8x32xf32, #tpu.memory_space<hbm>> -> memref<1x1x32xf32, #tpu.memory_space<hbm>>
        %dma_start3A_223 = tpu.memref_squeeze %dma_start3A_222 : memref<1x1x32xf32, #tpu.memory_space<hbm>> -> memref<32xf32, #tpu.memory_space<hbm>>
        %dma_start3A_224 = arith.constant 0 : i32
        %dma_start3A_225 = tpu.memref_slice %arg10[%add3A_190, %dma_start3A_224] : memref<128x32xf32, #tpu.memory_space<vmem>> -> memref<1x32xf32, #tpu.memory_space<vmem>>
        %dma_start3A_226 = tpu.memref_squeeze %dma_start3A_225 : memref<1x32xf32, #tpu.memory_space<vmem>> -> memref<32xf32, #tpu.memory_space<vmem>>
        %dma_start3A_227 = tpu.memref_reshape %arg5 : memref<1000000x32xf32, #tpu.memory_space<hbm>> -> memref<125000x8x32xf32, #tpu.memory_space<hbm>>
        %dma_start3A_228 = arith.constant 0 : i32
        %dma_start3A_229 = tpu.memref_slice %dma_start3A_227[%shift_right_logical3A_214, %and3A_216, %dma_start3A_228] : memref<125000x8x32xf32, #tpu.memory_space<hbm>> -> memref<1x1x32xf32, #tpu.memory_space<hbm>>
        %dma_start3A_230 = tpu.memref_squeeze %dma_start3A_229 : memref<1x1x32xf32, #tpu.memory_space<hbm>> -> memref<32xf32, #tpu.memory_space<hbm>>
        tpu.enqueue_dma source(%dma_start3A_230 : memref<32xf32, #tpu.memory_space<hbm>>) target(%dma_start3A_226 : memref<32xf32, #tpu.memory_space<vmem>>) target_semaphore(%arg12 : memref<!tpu.dma_semaphore, #tpu.memory_space<semaphore_mem>>)
        %mul3A_231 = arith.constant 16 : i32
        %mul3A_232 = arith.muli %scan3A_37, %mul3A_231 : i32
        %add3A_233 = arith.constant 5 : i32
        %add3A_234 = arith.addi %mul3A_232, %add3A_233 : i32
        %slice3A_235 = vector.extract_strided_slice %get3A_44 {offsets = [5], sizes = [1], strides = [1]} : vector<16xi32> to vector<1xi32>
        %squeeze3A_236 = vector.extract %slice3A_235[0] : i32 from vector<1xi32>
        %slice3A_237 = vector.extract_strided_slice %get3A_51 {offsets = [5], sizes = [1], strides = [1]} : vector<16xi32> to vector<1xi32>
        %squeeze3A_238 = vector.extract %slice3A_237[0] : i32 from vector<1xi32>
        %shift_right_logical3A_239 = arith.constant 3 : i32
        %shift_right_logical3A_240 = arith.shrui %squeeze3A_236, %shift_right_logical3A_239 : i32
        %and3A_241 = arith.constant 7 : i32
        %and3A_242 = arith.andi %squeeze3A_236, %and3A_241 : i32
        %dma_start3A_243 = arith.constant 0 : i32
        %dma_start3A_244 = tpu.memref_slice %arg9[%add3A_234, %dma_start3A_243] : memref<128x32xf32, #tpu.memory_space<vmem>> -> memref<1x32xf32, #tpu.memory_space<vmem>>
        %dma_start3A_245 = tpu.memref_squeeze %dma_start3A_244 : memref<1x32xf32, #tpu.memory_space<vmem>> -> memref<32xf32, #tpu.memory_space<vmem>>
        %dma_start3A_246 = tpu.memref_reshape %arg4 : memref<1000000x32xf32, #tpu.memory_space<hbm>> -> memref<125000x8x32xf32, #tpu.memory_space<hbm>>
        %dma_start3A_247 = arith.constant 0 : i32
        %dma_start3A_248 = tpu.memref_slice %dma_start3A_246[%shift_right_logical3A_240, %and3A_242, %dma_start3A_247] : memref<125000x8x32xf32, #tpu.memory_space<hbm>> -> memref<1x1x32xf32, #tpu.memory_space<hbm>>
        %dma_start3A_249 = tpu.memref_squeeze %dma_start3A_248 : memref<1x1x32xf32, #tpu.memory_space<hbm>> -> memref<32xf32, #tpu.memory_space<hbm>>
        %dma_start3A_250 = arith.constant 0 : i32
        %dma_start3A_251 = tpu.memref_slice %arg9[%add3A_234, %dma_start3A_250] : memref<128x32xf32, #tpu.memory_space<vmem>> -> memref<1x32xf32, #tpu.memory_space<vmem>>
        %dma_start3A_252 = tpu.memref_squeeze %dma_start3A_251 : memref<1x32xf32, #tpu.memory_space<vmem>> -> memref<32xf32, #tpu.memory_space<vmem>>
        %dma_start3A_253 = tpu.memref_reshape %arg4 : memref<1000000x32xf32, #tpu.memory_space<hbm>> -> memref<125000x8x32xf32, #tpu.memory_space<hbm>>
        %dma_start3A_254 = arith.constant 0 : i32
        %dma_start3A_255 = tpu.memref_slice %dma_start3A_253[%shift_right_logical3A_240, %and3A_242, %dma_start3A_254] : memref<125000x8x32xf32, #tpu.memory_space<hbm>> -> memref<1x1x32xf32, #tpu.memory_space<hbm>>
        %dma_start3A_256 = tpu.memref_squeeze %dma_start3A_255 : memref<1x1x32xf32, #tpu.memory_space<hbm>> -> memref<32xf32, #tpu.memory_space<hbm>>
        tpu.enqueue_dma source(%dma_start3A_256 : memref<32xf32, #tpu.memory_space<hbm>>) target(%dma_start3A_252 : memref<32xf32, #tpu.memory_space<vmem>>) target_semaphore(%arg12 : memref<!tpu.dma_semaphore, #tpu.memory_space<semaphore_mem>>)
        %shift_right_logical3A_257 = arith.constant 3 : i32
        %shift_right_logical3A_258 = arith.shrui %squeeze3A_238, %shift_right_logical3A_257 : i32
        %and3A_259 = arith.constant 7 : i32
        %and3A_260 = arith.andi %squeeze3A_238, %and3A_259 : i32
        %dma_start3A_261 = arith.constant 0 : i32
        %dma_start3A_262 = tpu.memref_slice %arg10[%add3A_234, %dma_start3A_261] : memref<128x32xf32, #tpu.memory_space<vmem>> -> memref<1x32xf32, #tpu.memory_space<vmem>>
        %dma_start3A_263 = tpu.memref_squeeze %dma_start3A_262 : memref<1x32xf32, #tpu.memory_space<vmem>> -> memref<32xf32, #tpu.memory_space<vmem>>
        %dma_start3A_264 = tpu.memref_reshape %arg5 : memref<1000000x32xf32, #tpu.memory_space<hbm>> -> memref<125000x8x32xf32, #tpu.memory_space<hbm>>
        %dma_start3A_265 = arith.constant 0 : i32
        %dma_start3A_266 = tpu.memref_slice %dma_start3A_264[%shift_right_logical3A_258, %and3A_260, %dma_start3A_265] : memref<125000x8x32xf32, #tpu.memory_space<hbm>> -> memref<1x1x32xf32, #tpu.memory_space<hbm>>
        %dma_start3A_267 = tpu.memref_squeeze %dma_start3A_266 : memref<1x1x32xf32, #tpu.memory_space<hbm>> -> memref<32xf32, #tpu.memory_space<hbm>>
        %dma_start3A_268 = arith.constant 0 : i32
        %dma_start3A_269 = tpu.memref_slice %arg10[%add3A_234, %dma_start3A_268] : memref<128x32xf32, #tpu.memory_space<vmem>> -> memref<1x32xf32, #tpu.memory_space<vmem>>
        %dma_start3A_270 = tpu.memref_squeeze %dma_start3A_269 : memref<1x32xf32, #tpu.memory_space<vmem>> -> memref<32xf32, #tpu.memory_space<vmem>>
        %dma_start3A_271 = tpu.memref_reshape %arg5 : memref<1000000x32xf32, #tpu.memory_space<hbm>> -> memref<125000x8x32xf32, #tpu.memory_space<hbm>>
        %dma_start3A_272 = arith.constant 0 : i32
        %dma_start3A_273 = tpu.memref_slice %dma_start3A_271[%shift_right_logical3A_258, %and3A_260, %dma_start3A_272] : memref<125000x8x32xf32, #tpu.memory_space<hbm>> -> memref<1x1x32xf32, #tpu.memory_space<hbm>>
        %dma_start3A_274 = tpu.memref_squeeze %dma_start3A_273 : memref<1x1x32xf32, #tpu.memory_space<hbm>> -> memref<32xf32, #tpu.memory_space<hbm>>
        tpu.enqueue_dma source(%dma_start3A_274 : memref<32xf32, #tpu.memory_space<hbm>>) target(%dma_start3A_270 : memref<32xf32, #tpu.memory_space<vmem>>) target_semaphore(%arg12 : memref<!tpu.dma_semaphore, #tpu.memory_space<semaphore_mem>>)
        %mul3A_275 = arith.constant 16 : i32
        %mul3A_276 = arith.muli %scan3A_37, %mul3A_275 : i32
        %add3A_277 = arith.constant 6 : i32
        %add3A_278 = arith.addi %mul3A_276, %add3A_277 : i32
        %slice3A_279 = vector.extract_strided_slice %get3A_44 {offsets = [6], sizes = [1], strides = [1]} : vector<16xi32> to vector<1xi32>
        %squeeze3A_280 = vector.extract %slice3A_279[0] : i32 from vector<1xi32>
        %slice3A_281 = vector.extract_strided_slice %get3A_51 {offsets = [6], sizes = [1], strides = [1]} : vector<16xi32> to vector<1xi32>
        %squeeze3A_282 = vector.extract %slice3A_281[0] : i32 from vector<1xi32>
        %shift_right_logical3A_283 = arith.constant 3 : i32
        %shift_right_logical3A_284 = arith.shrui %squeeze3A_280, %shift_right_logical3A_283 : i32
        %and3A_285 = arith.constant 7 : i32
        %and3A_286 = arith.andi %squeeze3A_280, %and3A_285 : i32
        %dma_start3A_287 = arith.constant 0 : i32
        %dma_start3A_288 = tpu.memref_slice %arg9[%add3A_278, %dma_start3A_287] : memref<128x32xf32, #tpu.memory_space<vmem>> -> memref<1x32xf32, #tpu.memory_space<vmem>>
        %dma_start3A_289 = tpu.memref_squeeze %dma_start3A_288 : memref<1x32xf32, #tpu.memory_space<vmem>> -> memref<32xf32, #tpu.memory_space<vmem>>
        %dma_start3A_290 = tpu.memref_reshape %arg4 : memref<1000000x32xf32, #tpu.memory_space<hbm>> -> memref<125000x8x32xf32, #tpu.memory_space<hbm>>
        %dma_start3A_291 = arith.constant 0 : i32
        %dma_start3A_292 = tpu.memref_slice %dma_start3A_290[%shift_right_logical3A_284, %and3A_286, %dma_start3A_291] : memref<125000x8x32xf32, #tpu.memory_space<hbm>> -> memref<1x1x32xf32, #tpu.memory_space<hbm>>
        %dma_start3A_293 = tpu.memref_squeeze %dma_start3A_292 : memref<1x1x32xf32, #tpu.memory_space<hbm>> -> memref<32xf32, #tpu.memory_space<hbm>>
        %dma_start3A_294 = arith.constant 0 : i32
        %dma_start3A_295 = tpu.memref_slice %arg9[%add3A_278, %dma_start3A_294] : memref<128x32xf32, #tpu.memory_space<vmem>> -> memref<1x32xf32, #tpu.memory_space<vmem>>
        %dma_start3A_296 = tpu.memref_squeeze %dma_start3A_295 : memref<1x32xf32, #tpu.memory_space<vmem>> -> memref<32xf32, #tpu.memory_space<vmem>>
        %dma_start3A_297 = tpu.memref_reshape %arg4 : memref<1000000x32xf32, #tpu.memory_space<hbm>> -> memref<125000x8x32xf32, #tpu.memory_space<hbm>>
        %dma_start3A_298 = arith.constant 0 : i32
        %dma_start3A_299 = tpu.memref_slice %dma_start3A_297[%shift_right_logical3A_284, %and3A_286, %dma_start3A_298] : memref<125000x8x32xf32, #tpu.memory_space<hbm>> -> memref<1x1x32xf32, #tpu.memory_space<hbm>>
        %dma_start3A_300 = tpu.memref_squeeze %dma_start3A_299 : memref<1x1x32xf32, #tpu.memory_space<hbm>> -> memref<32xf32, #tpu.memory_space<hbm>>
        tpu.enqueue_dma source(%dma_start3A_300 : memref<32xf32, #tpu.memory_space<hbm>>) target(%dma_start3A_296 : memref<32xf32, #tpu.memory_space<vmem>>) target_semaphore(%arg12 : memref<!tpu.dma_semaphore, #tpu.memory_space<semaphore_mem>>)
        %shift_right_logical3A_301 = arith.constant 3 : i32
        %shift_right_logical3A_302 = arith.shrui %squeeze3A_282, %shift_right_logical3A_301 : i32
        %and3A_303 = arith.constant 7 : i32
        %and3A_304 = arith.andi %squeeze3A_282, %and3A_303 : i32
        %dma_start3A_305 = arith.constant 0 : i32
        %dma_start3A_306 = tpu.memref_slice %arg10[%add3A_278, %dma_start3A_305] : memref<128x32xf32, #tpu.memory_space<vmem>> -> memref<1x32xf32, #tpu.memory_space<vmem>>
        %dma_start3A_307 = tpu.memref_squeeze %dma_start3A_306 : memref<1x32xf32, #tpu.memory_space<vmem>> -> memref<32xf32, #tpu.memory_space<vmem>>
        %dma_start3A_308 = tpu.memref_reshape %arg5 : memref<1000000x32xf32, #tpu.memory_space<hbm>> -> memref<125000x8x32xf32, #tpu.memory_space<hbm>>
        %dma_start3A_309 = arith.constant 0 : i32
        %dma_start3A_310 = tpu.memref_slice %dma_start3A_308[%shift_right_logical3A_302, %and3A_304, %dma_start3A_309] : memref<125000x8x32xf32, #tpu.memory_space<hbm>> -> memref<1x1x32xf32, #tpu.memory_space<hbm>>
        %dma_start3A_311 = tpu.memref_squeeze %dma_start3A_310 : memref<1x1x32xf32, #tpu.memory_space<hbm>> -> memref<32xf32, #tpu.memory_space<hbm>>
        %dma_start3A_312 = arith.constant 0 : i32
        %dma_start3A_313 = tpu.memref_slice %arg10[%add3A_278, %dma_start3A_312] : memref<128x32xf32, #tpu.memory_space<vmem>> -> memref<1x32xf32, #tpu.memory_space<vmem>>
        %dma_start3A_314 = tpu.memref_squeeze %dma_start3A_313 : memref<1x32xf32, #tpu.memory_space<vmem>> -> memref<32xf32, #tpu.memory_space<vmem>>
        %dma_start3A_315 = tpu.memref_reshape %arg5 : memref<1000000x32xf32, #tpu.memory_space<hbm>> -> memref<125000x8x32xf32, #tpu.memory_space<hbm>>
        %dma_start3A_316 = arith.constant 0 : i32
        %dma_start3A_317 = tpu.memref_slice %dma_start3A_315[%shift_right_logical3A_302, %and3A_304, %dma_start3A_316] : memref<125000x8x32xf32, #tpu.memory_space<hbm>> -> memref<1x1x32xf32, #tpu.memory_space<hbm>>
        %dma_start3A_318 = tpu.memref_squeeze %dma_start3A_317 : memref<1x1x32xf32, #tpu.memory_space<hbm>> -> memref<32xf32, #tpu.memory_space<hbm>>
        tpu.enqueue_dma source(%dma_start3A_318 : memref<32xf32, #tpu.memory_space<hbm>>) target(%dma_start3A_314 : memref<32xf32, #tpu.memory_space<vmem>>) target_semaphore(%arg12 : memref<!tpu.dma_semaphore, #tpu.memory_space<semaphore_mem>>)
        %mul3A_319 = arith.constant 16 : i32
        %mul3A_320 = arith.muli %scan3A_37, %mul3A_319 : i32
        %add3A_321 = arith.constant 7 : i32
        %add3A_322 = arith.addi %mul3A_320, %add3A_321 : i32
        %slice3A_323 = vector.extract_strided_slice %get3A_44 {offsets = [7], sizes = [1], strides = [1]} : vector<16xi32> to vector<1xi32>
        %squeeze3A_324 = vector.extract %slice3A_323[0] : i32 from vector<1xi32>
        %slice3A_325 = vector.extract_strided_slice %get3A_51 {offsets = [7], sizes = [1], strides = [1]} : vector<16xi32> to vector<1xi32>
        %squeeze3A_326 = vector.extract %slice3A_325[0] : i32 from vector<1xi32>
        %shift_right_logical3A_327 = arith.constant 3 : i32
        %shift_right_logical3A_328 = arith.shrui %squeeze3A_324, %shift_right_logical3A_327 : i32
        %and3A_329 = arith.constant 7 : i32
        %and3A_330 = arith.andi %squeeze3A_324, %and3A_329 : i32
        %dma_start3A_331 = arith.constant 0 : i32
        %dma_start3A_332 = tpu.memref_slice %arg9[%add3A_322, %dma_start3A_331] : memref<128x32xf32, #tpu.memory_space<vmem>> -> memref<1x32xf32, #tpu.memory_space<vmem>>
        %dma_start3A_333 = tpu.memref_squeeze %dma_start3A_332 : memref<1x32xf32, #tpu.memory_space<vmem>> -> memref<32xf32, #tpu.memory_space<vmem>>
        %dma_start3A_334 = tpu.memref_reshape %arg4 : memref<1000000x32xf32, #tpu.memory_space<hbm>> -> memref<125000x8x32xf32, #tpu.memory_space<hbm>>
        %dma_start3A_335 = arith.constant 0 : i32
        %dma_start3A_336 = tpu.memref_slice %dma_start3A_334[%shift_right_logical3A_328, %and3A_330, %dma_start3A_335] : memref<125000x8x32xf32, #tpu.memory_space<hbm>> -> memref<1x1x32xf32, #tpu.memory_space<hbm>>
        %dma_start3A_337 = tpu.memref_squeeze %dma_start3A_336 : memref<1x1x32xf32, #tpu.memory_space<hbm>> -> memref<32xf32, #tpu.memory_space<hbm>>
        %dma_start3A_338 = arith.constant 0 : i32
        %dma_start3A_339 = tpu.memref_slice %arg9[%add3A_322, %dma_start3A_338] : memref<128x32xf32, #tpu.memory_space<vmem>> -> memref<1x32xf32, #tpu.memory_space<vmem>>
        %dma_start3A_340 = tpu.memref_squeeze %dma_start3A_339 : memref<1x32xf32, #tpu.memory_space<vmem>> -> memref<32xf32, #tpu.memory_space<vmem>>
        %dma_start3A_341 = tpu.memref_reshape %arg4 : memref<1000000x32xf32, #tpu.memory_space<hbm>> -> memref<125000x8x32xf32, #tpu.memory_space<hbm>>
        %dma_start3A_342 = arith.constant 0 : i32
        %dma_start3A_343 = tpu.memref_slice %dma_start3A_341[%shift_right_logical3A_328, %and3A_330, %dma_start3A_342] : memref<125000x8x32xf32, #tpu.memory_space<hbm>> -> memref<1x1x32xf32, #tpu.memory_space<hbm>>
        %dma_start3A_344 = tpu.memref_squeeze %dma_start3A_343 : memref<1x1x32xf32, #tpu.memory_space<hbm>> -> memref<32xf32, #tpu.memory_space<hbm>>
        tpu.enqueue_dma source(%dma_start3A_344 : memref<32xf32, #tpu.memory_space<hbm>>) target(%dma_start3A_340 : memref<32xf32, #tpu.memory_space<vmem>>) target_semaphore(%arg12 : memref<!tpu.dma_semaphore, #tpu.memory_space<semaphore_mem>>)
        %shift_right_logical3A_345 = arith.constant 3 : i32
        %shift_right_logical3A_346 = arith.shrui %squeeze3A_326, %shift_right_logical3A_345 : i32
        %and3A_347 = arith.constant 7 : i32
        %and3A_348 = arith.andi %squeeze3A_326, %and3A_347 : i32
        %dma_start3A_349 = arith.constant 0 : i32
        %dma_start3A_350 = tpu.memref_slice %arg10[%add3A_322, %dma_start3A_349] : memref<128x32xf32, #tpu.memory_space<vmem>> -> memref<1x32xf32, #tpu.memory_space<vmem>>
        %dma_start3A_351 = tpu.memref_squeeze %dma_start3A_350 : memref<1x32xf32, #tpu.memory_space<vmem>> -> memref<32xf32, #tpu.memory_space<vmem>>
        %dma_start3A_352 = tpu.memref_reshape %arg5 : memref<1000000x32xf32, #tpu.memory_space<hbm>> -> memref<125000x8x32xf32, #tpu.memory_space<hbm>>
        %dma_start3A_353 = arith.constant 0 : i32
        %dma_start3A_354 = tpu.memref_slice %dma_start3A_352[%shift_right_logical3A_346, %and3A_348, %dma_start3A_353] : memref<125000x8x32xf32, #tpu.memory_space<hbm>> -> memref<1x1x32xf32, #tpu.memory_space<hbm>>
        %dma_start3A_355 = tpu.memref_squeeze %dma_start3A_354 : memref<1x1x32xf32, #tpu.memory_space<hbm>> -> memref<32xf32, #tpu.memory_space<hbm>>
        %dma_start3A_356 = arith.constant 0 : i32
        %dma_start3A_357 = tpu.memref_slice %arg10[%add3A_322, %dma_start3A_356] : memref<128x32xf32, #tpu.memory_space<vmem>> -> memref<1x32xf32, #tpu.memory_space<vmem>>
        %dma_start3A_358 = tpu.memref_squeeze %dma_start3A_357 : memref<1x32xf32, #tpu.memory_space<vmem>> -> memref<32xf32, #tpu.memory_space<vmem>>
        %dma_start3A_359 = tpu.memref_reshape %arg5 : memref<1000000x32xf32, #tpu.memory_space<hbm>> -> memref<125000x8x32xf32, #tpu.memory_space<hbm>>
        %dma_start3A_360 = arith.constant 0 : i32
        %dma_start3A_361 = tpu.memref_slice %dma_start3A_359[%shift_right_logical3A_346, %and3A_348, %dma_start3A_360] : memref<125000x8x32xf32, #tpu.memory_space<hbm>> -> memref<1x1x32xf32, #tpu.memory_space<hbm>>
        %dma_start3A_362 = tpu.memref_squeeze %dma_start3A_361 : memref<1x1x32xf32, #tpu.memory_space<hbm>> -> memref<32xf32, #tpu.memory_space<hbm>>
        tpu.enqueue_dma source(%dma_start3A_362 : memref<32xf32, #tpu.memory_space<hbm>>) target(%dma_start3A_358 : memref<32xf32, #tpu.memory_space<vmem>>) target_semaphore(%arg12 : memref<!tpu.dma_semaphore, #tpu.memory_space<semaphore_mem>>)
        %mul3A_363 = arith.constant 16 : i32
        %mul3A_364 = arith.muli %scan3A_37, %mul3A_363 : i32
        %add3A_365 = arith.constant 8 : i32
        %add3A_366 = arith.addi %mul3A_364, %add3A_365 : i32
        %slice3A_367 = vector.extract_strided_slice %get3A_44 {offsets = [8], sizes = [1], strides = [1]} : vector<16xi32> to vector<1xi32>
        %squeeze3A_368 = vector.extract %slice3A_367[0] : i32 from vector<1xi32>
        %slice3A_369 = vector.extract_strided_slice %get3A_51 {offsets = [8], sizes = [1], strides = [1]} : vector<16xi32> to vector<1xi32>
        %squeeze3A_370 = vector.extract %slice3A_369[0] : i32 from vector<1xi32>
        %dma_start3A_371 = arith.constant 0 : i32
        %dma_start3A_372 = tpu.memref_slice %arg9[%add3A_366, %dma_start3A_371] : memref<128x32xf32, #tpu.memory_space<vmem>> -> memref<1x32xf32, #tpu.memory_space<vmem>>
        %dma_start3A_373 = tpu.memref_squeeze %dma_start3A_372 : memref<1x32xf32, #tpu.memory_space<vmem>> -> memref<32xf32, #tpu.memory_space<vmem>>
        %dma_start3A_374 = arith.constant 0 : i32
        %dma_start3A_375 = tpu.memref_slice %arg4[%squeeze3A_368, %dma_start3A_374] : memref<1000000x32xf32, #tpu.memory_space<hbm>> -> memref<1x32xf32, #tpu.memory_space<hbm>>
        %dma_start3A_376 = tpu.memref_squeeze %dma_start3A_375 : memref<1x32xf32, #tpu.memory_space<hbm>> -> memref<32xf32, #tpu.memory_space<hbm>>
        %dma_start3A_377 = arith.constant 0 : i32
        %dma_start3A_378 = tpu.memref_slice %arg9[%add3A_366, %dma_start3A_377] : memref<128x32xf32, #tpu.memory_space<vmem>> -> memref<1x32xf32, #tpu.memory_space<vmem>>
        %dma_start3A_379 = tpu.memref_squeeze %dma_start3A_378 : memref<1x32xf32, #tpu.memory_space<vmem>> -> memref<32xf32, #tpu.memory_space<vmem>>
        %dma_start3A_380 = arith.constant 0 : i32
        %dma_start3A_381 = tpu.memref_slice %arg4[%squeeze3A_368, %dma_start3A_380] : memref<1000000x32xf32, #tpu.memory_space<hbm>> -> memref<1x32xf32, #tpu.memory_space<hbm>>
        %dma_start3A_382 = tpu.memref_squeeze %dma_start3A_381 : memref<1x32xf32, #tpu.memory_space<hbm>> -> memref<32xf32, #tpu.memory_space<hbm>>
        tpu.enqueue_dma source(%dma_start3A_382 : memref<32xf32, #tpu.memory_space<hbm>>) target(%dma_start3A_379 : memref<32xf32, #tpu.memory_space<vmem>>) target_semaphore(%arg12 : memref<!tpu.dma_semaphore, #tpu.memory_space<semaphore_mem>>)
        %dma_start3A_383 = arith.constant 0 : i32
        %dma_start3A_384 = tpu.memref_slice %arg10[%add3A_366, %dma_start3A_383] : memref<128x32xf32, #tpu.memory_space<vmem>> -> memref<1x32xf32, #tpu.memory_space<vmem>>
        %dma_start3A_385 = tpu.memref_squeeze %dma_start3A_384 : memref<1x32xf32, #tpu.memory_space<vmem>> -> memref<32xf32, #tpu.memory_space<vmem>>
        %dma_start3A_386 = arith.constant 0 : i32
        %dma_start3A_387 = tpu.memref_slice %arg5[%squeeze3A_370, %dma_start3A_386] : memref<1000000x32xf32, #tpu.memory_space<hbm>> -> memref<1x32xf32, #tpu.memory_space<hbm>>
        %dma_start3A_388 = tpu.memref_squeeze %dma_start3A_387 : memref<1x32xf32, #tpu.memory_space<hbm>> -> memref<32xf32, #tpu.memory_space<hbm>>
        %dma_start3A_389 = arith.constant 0 : i32
        %dma_start3A_390 = tpu.memref_slice %arg10[%add3A_366, %dma_start3A_389] : memref<128x32xf32, #tpu.memory_space<vmem>> -> memref<1x32xf32, #tpu.memory_space<vmem>>
        %dma_start3A_391 = tpu.memref_squeeze %dma_start3A_390 : memref<1x32xf32, #tpu.memory_space<vmem>> -> memref<32xf32, #tpu.memory_space<vmem>>
        %dma_start3A_392 = arith.constant 0 : i32
        %dma_start3A_393 = tpu.memref_slice %arg5[%squeeze3A_370, %dma_start3A_392] : memref<1000000x32xf32, #tpu.memory_space<hbm>> -> memref<1x32xf32, #tpu.memory_space<hbm>>
        %dma_start3A_394 = tpu.memref_squeeze %dma_start3A_393 : memref<1x32xf32, #tpu.memory_space<hbm>> -> memref<32xf32, #tpu.memory_space<hbm>>
        tpu.enqueue_dma source(%dma_start3A_394 : memref<32xf32, #tpu.memory_space<hbm>>) target(%dma_start3A_391 : memref<32xf32, #tpu.memory_space<vmem>>) target_semaphore(%arg12 : memref<!tpu.dma_semaphore, #tpu.memory_space<semaphore_mem>>)
        %mul3A_395 = arith.constant 16 : i32
        %mul3A_396 = arith.muli %scan3A_37, %mul3A_395 : i32
        %add3A_397 = arith.constant 9 : i32
        %add3A_398 = arith.addi %mul3A_396, %add3A_397 : i32
        %slice3A_399 = vector.extract_strided_slice %get3A_44 {offsets = [9], sizes = [1], strides = [1]} : vector<16xi32> to vector<1xi32>
        %squeeze3A_400 = vector.extract %slice3A_399[0] : i32 from vector<1xi32>
        %slice3A_401 = vector.extract_strided_slice %get3A_51 {offsets = [9], sizes = [1], strides = [1]} : vector<16xi32> to vector<1xi32>
        %squeeze3A_402 = vector.extract %slice3A_401[0] : i32 from vector<1xi32>
        %dma_start3A_403 = arith.constant 0 : i32
        %dma_start3A_404 = tpu.memref_slice %arg9[%add3A_398, %dma_start3A_403] : memref<128x32xf32, #tpu.memory_space<vmem>> -> memref<1x32xf32, #tpu.memory_space<vmem>>
        %dma_start3A_405 = tpu.memref_squeeze %dma_start3A_404 : memref<1x32xf32, #tpu.memory_space<vmem>> -> memref<32xf32, #tpu.memory_space<vmem>>
        %dma_start3A_406 = arith.constant 0 : i32
        %dma_start3A_407 = tpu.memref_slice %arg4[%squeeze3A_400, %dma_start3A_406] : memref<1000000x32xf32, #tpu.memory_space<hbm>> -> memref<1x32xf32, #tpu.memory_space<hbm>>
        %dma_start3A_408 = tpu.memref_squeeze %dma_start3A_407 : memref<1x32xf32, #tpu.memory_space<hbm>> -> memref<32xf32, #tpu.memory_space<hbm>>
        %dma_start3A_409 = arith.constant 0 : i32
        %dma_start3A_410 = tpu.memref_slice %arg9[%add3A_398, %dma_start3A_409] : memref<128x32xf32, #tpu.memory_space<vmem>> -> memref<1x32xf32, #tpu.memory_space<vmem>>
        %dma_start3A_411 = tpu.memref_squeeze %dma_start3A_410 : memref<1x32xf32, #tpu.memory_space<vmem>> -> memref<32xf32, #tpu.memory_space<vmem>>
        %dma_start3A_412 = arith.constant 0 : i32
        %dma_start3A_413 = tpu.memref_slice %arg4[%squeeze3A_400, %dma_start3A_412] : memref<1000000x32xf32, #tpu.memory_space<hbm>> -> memref<1x32xf32, #tpu.memory_space<hbm>>
        %dma_start3A_414 = tpu.memref_squeeze %dma_start3A_413 : memref<1x32xf32, #tpu.memory_space<hbm>> -> memref<32xf32, #tpu.memory_space<hbm>>
        tpu.enqueue_dma source(%dma_start3A_414 : memref<32xf32, #tpu.memory_space<hbm>>) target(%dma_start3A_411 : memref<32xf32, #tpu.memory_space<vmem>>) target_semaphore(%arg12 : memref<!tpu.dma_semaphore, #tpu.memory_space<semaphore_mem>>)
        %dma_start3A_415 = arith.constant 0 : i32
        %dma_start3A_416 = tpu.memref_slice %arg10[%add3A_398, %dma_start3A_415] : memref<128x32xf32, #tpu.memory_space<vmem>> -> memref<1x32xf32, #tpu.memory_space<vmem>>
        %dma_start3A_417 = tpu.memref_squeeze %dma_start3A_416 : memref<1x32xf32, #tpu.memory_space<vmem>> -> memref<32xf32, #tpu.memory_space<vmem>>
        %dma_start3A_418 = arith.constant 0 : i32
        %dma_start3A_419 = tpu.memref_slice %arg5[%squeeze3A_402, %dma_start3A_418] : memref<1000000x32xf32, #tpu.memory_space<hbm>> -> memref<1x32xf32, #tpu.memory_space<hbm>>
        %dma_start3A_420 = tpu.memref_squeeze %dma_start3A_419 : memref<1x32xf32, #tpu.memory_space<hbm>> -> memref<32xf32, #tpu.memory_space<hbm>>
        %dma_start3A_421 = arith.constant 0 : i32
        %dma_start3A_422 = tpu.memref_slice %arg10[%add3A_398, %dma_start3A_421] : memref<128x32xf32, #tpu.memory_space<vmem>> -> memref<1x32xf32, #tpu.memory_space<vmem>>
        %dma_start3A_423 = tpu.memref_squeeze %dma_start3A_422 : memref<1x32xf32, #tpu.memory_space<vmem>> -> memref<32xf32, #tpu.memory_space<vmem>>
        %dma_start3A_424 = arith.constant 0 : i32
        %dma_start3A_425 = tpu.memref_slice %arg5[%squeeze3A_402, %dma_start3A_424] : memref<1000000x32xf32, #tpu.memory_space<hbm>> -> memref<1x32xf32, #tpu.memory_space<hbm>>
        %dma_start3A_426 = tpu.memref_squeeze %dma_start3A_425 : memref<1x32xf32, #tpu.memory_space<hbm>> -> memref<32xf32, #tpu.memory_space<hbm>>
        tpu.enqueue_dma source(%dma_start3A_426 : memref<32xf32, #tpu.memory_space<hbm>>) target(%dma_start3A_423 : memref<32xf32, #tpu.memory_space<vmem>>) target_semaphore(%arg12 : memref<!tpu.dma_semaphore, #tpu.memory_space<semaphore_mem>>)
        %mul3A_427 = arith.constant 16 : i32
        %mul3A_428 = arith.muli %scan3A_37, %mul3A_427 : i32
        %add3A_429 = arith.constant 10 : i32
        %add3A_430 = arith.addi %mul3A_428, %add3A_429 : i32
        %slice3A_431 = vector.extract_strided_slice %get3A_44 {offsets = [10], sizes = [1], strides = [1]} : vector<16xi32> to vector<1xi32>
        %squeeze3A_432 = vector.extract %slice3A_431[0] : i32 from vector<1xi32>
        %slice3A_433 = vector.extract_strided_slice %get3A_51 {offsets = [10], sizes = [1], strides = [1]} : vector<16xi32> to vector<1xi32>
        %squeeze3A_434 = vector.extract %slice3A_433[0] : i32 from vector<1xi32>
        %dma_start3A_435 = arith.constant 0 : i32
        %dma_start3A_436 = tpu.memref_slice %arg9[%add3A_430, %dma_start3A_435] : memref<128x32xf32, #tpu.memory_space<vmem>> -> memref<1x32xf32, #tpu.memory_space<vmem>>
        %dma_start3A_437 = tpu.memref_squeeze %dma_start3A_436 : memref<1x32xf32, #tpu.memory_space<vmem>> -> memref<32xf32, #tpu.memory_space<vmem>>
        %dma_start3A_438 = arith.constant 0 : i32
        %dma_start3A_439 = tpu.memref_slice %arg4[%squeeze3A_432, %dma_start3A_438] : memref<1000000x32xf32, #tpu.memory_space<hbm>> -> memref<1x32xf32, #tpu.memory_space<hbm>>
        %dma_start3A_440 = tpu.memref_squeeze %dma_start3A_439 : memref<1x32xf32, #tpu.memory_space<hbm>> -> memref<32xf32, #tpu.memory_space<hbm>>
        %dma_start3A_441 = arith.constant 0 : i32
        %dma_start3A_442 = tpu.memref_slice %arg9[%add3A_430, %dma_start3A_441] : memref<128x32xf32, #tpu.memory_space<vmem>> -> memref<1x32xf32, #tpu.memory_space<vmem>>
        %dma_start3A_443 = tpu.memref_squeeze %dma_start3A_442 : memref<1x32xf32, #tpu.memory_space<vmem>> -> memref<32xf32, #tpu.memory_space<vmem>>
        %dma_start3A_444 = arith.constant 0 : i32
        %dma_start3A_445 = tpu.memref_slice %arg4[%squeeze3A_432, %dma_start3A_444] : memref<1000000x32xf32, #tpu.memory_space<hbm>> -> memref<1x32xf32, #tpu.memory_space<hbm>>
        %dma_start3A_446 = tpu.memref_squeeze %dma_start3A_445 : memref<1x32xf32, #tpu.memory_space<hbm>> -> memref<32xf32, #tpu.memory_space<hbm>>
        tpu.enqueue_dma source(%dma_start3A_446 : memref<32xf32, #tpu.memory_space<hbm>>) target(%dma_start3A_443 : memref<32xf32, #tpu.memory_space<vmem>>) target_semaphore(%arg12 : memref<!tpu.dma_semaphore, #tpu.memory_space<semaphore_mem>>)
        %dma_start3A_447 = arith.constant 0 : i32
        %dma_start3A_448 = tpu.memref_slice %arg10[%add3A_430, %dma_start3A_447] : memref<128x32xf32, #tpu.memory_space<vmem>> -> memref<1x32xf32, #tpu.memory_space<vmem>>
        %dma_start3A_449 = tpu.memref_squeeze %dma_start3A_448 : memref<1x32xf32, #tpu.memory_space<vmem>> -> memref<32xf32, #tpu.memory_space<vmem>>
        %dma_start3A_450 = arith.constant 0 : i32
        %dma_start3A_451 = tpu.memref_slice %arg5[%squeeze3A_434, %dma_start3A_450] : memref<1000000x32xf32, #tpu.memory_space<hbm>> -> memref<1x32xf32, #tpu.memory_space<hbm>>
        %dma_start3A_452 = tpu.memref_squeeze %dma_start3A_451 : memref<1x32xf32, #tpu.memory_space<hbm>> -> memref<32xf32, #tpu.memory_space<hbm>>
        %dma_start3A_453 = arith.constant 0 : i32
        %dma_start3A_454 = tpu.memref_slice %arg10[%add3A_430, %dma_start3A_453] : memref<128x32xf32, #tpu.memory_space<vmem>> -> memref<1x32xf32, #tpu.memory_space<vmem>>
        %dma_start3A_455 = tpu.memref_squeeze %dma_start3A_454 : memref<1x32xf32, #tpu.memory_space<vmem>> -> memref<32xf32, #tpu.memory_space<vmem>>
        %dma_start3A_456 = arith.constant 0 : i32
        %dma_start3A_457 = tpu.memref_slice %arg5[%squeeze3A_434, %dma_start3A_456] : memref<1000000x32xf32, #tpu.memory_space<hbm>> -> memref<1x32xf32, #tpu.memory_space<hbm>>
        %dma_start3A_458 = tpu.memref_squeeze %dma_start3A_457 : memref<1x32xf32, #tpu.memory_space<hbm>> -> memref<32xf32, #tpu.memory_space<hbm>>
        tpu.enqueue_dma source(%dma_start3A_458 : memref<32xf32, #tpu.memory_space<hbm>>) target(%dma_start3A_455 : memref<32xf32, #tpu.memory_space<vmem>>) target_semaphore(%arg12 : memref<!tpu.dma_semaphore, #tpu.memory_space<semaphore_mem>>)
        %mul3A_459 = arith.constant 16 : i32
        %mul3A_460 = arith.muli %scan3A_37, %mul3A_459 : i32
        %add3A_461 = arith.constant 11 : i32
        %add3A_462 = arith.addi %mul3A_460, %add3A_461 : i32
        %slice3A_463 = vector.extract_strided_slice %get3A_44 {offsets = [11], sizes = [1], strides = [1]} : vector<16xi32> to vector<1xi32>
        %squeeze3A_464 = vector.extract %slice3A_463[0] : i32 from vector<1xi32>
        %slice3A_465 = vector.extract_strided_slice %get3A_51 {offsets = [11], sizes = [1], strides = [1]} : vector<16xi32> to vector<1xi32>
        %squeeze3A_466 = vector.extract %slice3A_465[0] : i32 from vector<1xi32>
        %shift_right_logical3A_467 = arith.constant 3 : i32
        %shift_right_logical3A_468 = arith.shrui %squeeze3A_464, %shift_right_logical3A_467 : i32
        %and3A_469 = arith.constant 7 : i32
        %and3A_470 = arith.andi %squeeze3A_464, %and3A_469 : i32
        %dma_start3A_471 = arith.constant 0 : i32
        %dma_start3A_472 = tpu.memref_slice %arg9[%add3A_462, %dma_start3A_471] : memref<128x32xf32, #tpu.memory_space<vmem>> -> memref<1x32xf32, #tpu.memory_space<vmem>>
        %dma_start3A_473 = tpu.memref_squeeze %dma_start3A_472 : memref<1x32xf32, #tpu.memory_space<vmem>> -> memref<32xf32, #tpu.memory_space<vmem>>
        %dma_start3A_474 = tpu.memref_reshape %arg4 : memref<1000000x32xf32, #tpu.memory_space<hbm>> -> memref<125000x8x32xf32, #tpu.memory_space<hbm>>
        %dma_start3A_475 = arith.constant 0 : i32
        %dma_start3A_476 = tpu.memref_slice %dma_start3A_474[%shift_right_logical3A_468, %and3A_470, %dma_start3A_475] : memref<125000x8x32xf32, #tpu.memory_space<hbm>> -> memref<1x1x32xf32, #tpu.memory_space<hbm>>
        %dma_start3A_477 = tpu.memref_squeeze %dma_start3A_476 : memref<1x1x32xf32, #tpu.memory_space<hbm>> -> memref<32xf32, #tpu.memory_space<hbm>>
        %dma_start3A_478 = arith.constant 0 : i32
        %dma_start3A_479 = tpu.memref_slice %arg9[%add3A_462, %dma_start3A_478] : memref<128x32xf32, #tpu.memory_space<vmem>> -> memref<1x32xf32, #tpu.memory_space<vmem>>
        %dma_start3A_480 = tpu.memref_squeeze %dma_start3A_479 : memref<1x32xf32, #tpu.memory_space<vmem>> -> memref<32xf32, #tpu.memory_space<vmem>>
        %dma_start3A_481 = tpu.memref_reshape %arg4 : memref<1000000x32xf32, #tpu.memory_space<hbm>> -> memref<125000x8x32xf32, #tpu.memory_space<hbm>>
        %dma_start3A_482 = arith.constant 0 : i32
        %dma_start3A_483 = tpu.memref_slice %dma_start3A_481[%shift_right_logical3A_468, %and3A_470, %dma_start3A_482] : memref<125000x8x32xf32, #tpu.memory_space<hbm>> -> memref<1x1x32xf32, #tpu.memory_space<hbm>>
        %dma_start3A_484 = tpu.memref_squeeze %dma_start3A_483 : memref<1x1x32xf32, #tpu.memory_space<hbm>> -> memref<32xf32, #tpu.memory_space<hbm>>
        tpu.enqueue_dma source(%dma_start3A_484 : memref<32xf32, #tpu.memory_space<hbm>>) target(%dma_start3A_480 : memref<32xf32, #tpu.memory_space<vmem>>) target_semaphore(%arg12 : memref<!tpu.dma_semaphore, #tpu.memory_space<semaphore_mem>>)
        %shift_right_logical3A_485 = arith.constant 3 : i32
        %shift_right_logical3A_486 = arith.shrui %squeeze3A_466, %shift_right_logical3A_485 : i32
        %and3A_487 = arith.constant 7 : i32
        %and3A_488 = arith.andi %squeeze3A_466, %and3A_487 : i32
        %dma_start3A_489 = arith.constant 0 : i32
        %dma_start3A_490 = tpu.memref_slice %arg10[%add3A_462, %dma_start3A_489] : memref<128x32xf32, #tpu.memory_space<vmem>> -> memref<1x32xf32, #tpu.memory_space<vmem>>
        %dma_start3A_491 = tpu.memref_squeeze %dma_start3A_490 : memref<1x32xf32, #tpu.memory_space<vmem>> -> memref<32xf32, #tpu.memory_space<vmem>>
        %dma_start3A_492 = tpu.memref_reshape %arg5 : memref<1000000x32xf32, #tpu.memory_space<hbm>> -> memref<125000x8x32xf32, #tpu.memory_space<hbm>>
        %dma_start3A_493 = arith.constant 0 : i32
        %dma_start3A_494 = tpu.memref_slice %dma_start3A_492[%shift_right_logical3A_486, %and3A_488, %dma_start3A_493] : memref<125000x8x32xf32, #tpu.memory_space<hbm>> -> memref<1x1x32xf32, #tpu.memory_space<hbm>>
        %dma_start3A_495 = tpu.memref_squeeze %dma_start3A_494 : memref<1x1x32xf32, #tpu.memory_space<hbm>> -> memref<32xf32, #tpu.memory_space<hbm>>
        %dma_start3A_496 = arith.constant 0 : i32
        %dma_start3A_497 = tpu.memref_slice %arg10[%add3A_462, %dma_start3A_496] : memref<128x32xf32, #tpu.memory_space<vmem>> -> memref<1x32xf32, #tpu.memory_space<vmem>>
        %dma_start3A_498 = tpu.memref_squeeze %dma_start3A_497 : memref<1x32xf32, #tpu.memory_space<vmem>> -> memref<32xf32, #tpu.memory_space<vmem>>
        %dma_start3A_499 = tpu.memref_reshape %arg5 : memref<1000000x32xf32, #tpu.memory_space<hbm>> -> memref<125000x8x32xf32, #tpu.memory_space<hbm>>
        %dma_start3A_500 = arith.constant 0 : i32
        %dma_start3A_501 = tpu.memref_slice %dma_start3A_499[%shift_right_logical3A_486, %and3A_488, %dma_start3A_500] : memref<125000x8x32xf32, #tpu.memory_space<hbm>> -> memref<1x1x32xf32, #tpu.memory_space<hbm>>
        %dma_start3A_502 = tpu.memref_squeeze %dma_start3A_501 : memref<1x1x32xf32, #tpu.memory_space<hbm>> -> memref<32xf32, #tpu.memory_space<hbm>>
        tpu.enqueue_dma source(%dma_start3A_502 : memref<32xf32, #tpu.memory_space<hbm>>) target(%dma_start3A_498 : memref<32xf32, #tpu.memory_space<vmem>>) target_semaphore(%arg12 : memref<!tpu.dma_semaphore, #tpu.memory_space<semaphore_mem>>)
        %mul3A_503 = arith.constant 16 : i32
        %mul3A_504 = arith.muli %scan3A_37, %mul3A_503 : i32
        %add3A_505 = arith.constant 12 : i32
        %add3A_506 = arith.addi %mul3A_504, %add3A_505 : i32
        %slice3A_507 = vector.extract_strided_slice %get3A_44 {offsets = [12], sizes = [1], strides = [1]} : vector<16xi32> to vector<1xi32>
        %squeeze3A_508 = vector.extract %slice3A_507[0] : i32 from vector<1xi32>
        %slice3A_509 = vector.extract_strided_slice %get3A_51 {offsets = [12], sizes = [1], strides = [1]} : vector<16xi32> to vector<1xi32>
        %squeeze3A_510 = vector.extract %slice3A_509[0] : i32 from vector<1xi32>
        %shift_right_logical3A_511 = arith.constant 3 : i32
        %shift_right_logical3A_512 = arith.shrui %squeeze3A_508, %shift_right_logical3A_511 : i32
        %and3A_513 = arith.constant 7 : i32
        %and3A_514 = arith.andi %squeeze3A_508, %and3A_513 : i32
        %dma_start3A_515 = arith.constant 0 : i32
        %dma_start3A_516 = tpu.memref_slice %arg9[%add3A_506, %dma_start3A_515] : memref<128x32xf32, #tpu.memory_space<vmem>> -> memref<1x32xf32, #tpu.memory_space<vmem>>
        %dma_start3A_517 = tpu.memref_squeeze %dma_start3A_516 : memref<1x32xf32, #tpu.memory_space<vmem>> -> memref<32xf32, #tpu.memory_space<vmem>>
        %dma_start3A_518 = tpu.memref_reshape %arg4 : memref<1000000x32xf32, #tpu.memory_space<hbm>> -> memref<125000x8x32xf32, #tpu.memory_space<hbm>>
        %dma_start3A_519 = arith.constant 0 : i32
        %dma_start3A_520 = tpu.memref_slice %dma_start3A_518[%shift_right_logical3A_512, %and3A_514, %dma_start3A_519] : memref<125000x8x32xf32, #tpu.memory_space<hbm>> -> memref<1x1x32xf32, #tpu.memory_space<hbm>>
        %dma_start3A_521 = tpu.memref_squeeze %dma_start3A_520 : memref<1x1x32xf32, #tpu.memory_space<hbm>> -> memref<32xf32, #tpu.memory_space<hbm>>
        %dma_start3A_522 = arith.constant 0 : i32
        %dma_start3A_523 = tpu.memref_slice %arg9[%add3A_506, %dma_start3A_522] : memref<128x32xf32, #tpu.memory_space<vmem>> -> memref<1x32xf32, #tpu.memory_space<vmem>>
        %dma_start3A_524 = tpu.memref_squeeze %dma_start3A_523 : memref<1x32xf32, #tpu.memory_space<vmem>> -> memref<32xf32, #tpu.memory_space<vmem>>
        %dma_start3A_525 = tpu.memref_reshape %arg4 : memref<1000000x32xf32, #tpu.memory_space<hbm>> -> memref<125000x8x32xf32, #tpu.memory_space<hbm>>
        %dma_start3A_526 = arith.constant 0 : i32
        %dma_start3A_527 = tpu.memref_slice %dma_start3A_525[%shift_right_logical3A_512, %and3A_514, %dma_start3A_526] : memref<125000x8x32xf32, #tpu.memory_space<hbm>> -> memref<1x1x32xf32, #tpu.memory_space<hbm>>
        %dma_start3A_528 = tpu.memref_squeeze %dma_start3A_527 : memref<1x1x32xf32, #tpu.memory_space<hbm>> -> memref<32xf32, #tpu.memory_space<hbm>>
        tpu.enqueue_dma source(%dma_start3A_528 : memref<32xf32, #tpu.memory_space<hbm>>) target(%dma_start3A_524 : memref<32xf32, #tpu.memory_space<vmem>>) target_semaphore(%arg12 : memref<!tpu.dma_semaphore, #tpu.memory_space<semaphore_mem>>)
        %shift_right_logical3A_529 = arith.constant 3 : i32
        %shift_right_logical3A_530 = arith.shrui %squeeze3A_510, %shift_right_logical3A_529 : i32
        %and3A_531 = arith.constant 7 : i32
        %and3A_532 = arith.andi %squeeze3A_510, %and3A_531 : i32
        %dma_start3A_533 = arith.constant 0 : i32
        %dma_start3A_534 = tpu.memref_slice %arg10[%add3A_506, %dma_start3A_533] : memref<128x32xf32, #tpu.memory_space<vmem>> -> memref<1x32xf32, #tpu.memory_space<vmem>>
        %dma_start3A_535 = tpu.memref_squeeze %dma_start3A_534 : memref<1x32xf32, #tpu.memory_space<vmem>> -> memref<32xf32, #tpu.memory_space<vmem>>
        %dma_start3A_536 = tpu.memref_reshape %arg5 : memref<1000000x32xf32, #tpu.memory_space<hbm>> -> memref<125000x8x32xf32, #tpu.memory_space<hbm>>
        %dma_start3A_537 = arith.constant 0 : i32
        %dma_start3A_538 = tpu.memref_slice %dma_start3A_536[%shift_right_logical3A_530, %and3A_532, %dma_start3A_537] : memref<125000x8x32xf32, #tpu.memory_space<hbm>> -> memref<1x1x32xf32, #tpu.memory_space<hbm>>
        %dma_start3A_539 = tpu.memref_squeeze %dma_start3A_538 : memref<1x1x32xf32, #tpu.memory_space<hbm>> -> memref<32xf32, #tpu.memory_space<hbm>>
        %dma_start3A_540 = arith.constant 0 : i32
        %dma_start3A_541 = tpu.memref_slice %arg10[%add3A_506, %dma_start3A_540] : memref<128x32xf32, #tpu.memory_space<vmem>> -> memref<1x32xf32, #tpu.memory_space<vmem>>
        %dma_start3A_542 = tpu.memref_squeeze %dma_start3A_541 : memref<1x32xf32, #tpu.memory_space<vmem>> -> memref<32xf32, #tpu.memory_space<vmem>>
        %dma_start3A_543 = tpu.memref_reshape %arg5 : memref<1000000x32xf32, #tpu.memory_space<hbm>> -> memref<125000x8x32xf32, #tpu.memory_space<hbm>>
        %dma_start3A_544 = arith.constant 0 : i32
        %dma_start3A_545 = tpu.memref_slice %dma_start3A_543[%shift_right_logical3A_530, %and3A_532, %dma_start3A_544] : memref<125000x8x32xf32, #tpu.memory_space<hbm>> -> memref<1x1x32xf32, #tpu.memory_space<hbm>>
        %dma_start3A_546 = tpu.memref_squeeze %dma_start3A_545 : memref<1x1x32xf32, #tpu.memory_space<hbm>> -> memref<32xf32, #tpu.memory_space<hbm>>
        tpu.enqueue_dma source(%dma_start3A_546 : memref<32xf32, #tpu.memory_space<hbm>>) target(%dma_start3A_542 : memref<32xf32, #tpu.memory_space<vmem>>) target_semaphore(%arg12 : memref<!tpu.dma_semaphore, #tpu.memory_space<semaphore_mem>>)
        %mul3A_547 = arith.constant 16 : i32
        %mul3A_548 = arith.muli %scan3A_37, %mul3A_547 : i32
        %add3A_549 = arith.constant 13 : i32
        %add3A_550 = arith.addi %mul3A_548, %add3A_549 : i32
        %slice3A_551 = vector.extract_strided_slice %get3A_44 {offsets = [13], sizes = [1], strides = [1]} : vector<16xi32> to vector<1xi32>
        %squeeze3A_552 = vector.extract %slice3A_551[0] : i32 from vector<1xi32>
        %slice3A_553 = vector.extract_strided_slice %get3A_51 {offsets = [13], sizes = [1], strides = [1]} : vector<16xi32> to vector<1xi32>
        %squeeze3A_554 = vector.extract %slice3A_553[0] : i32 from vector<1xi32>
        %shift_right_logical3A_555 = arith.constant 3 : i32
        %shift_right_logical3A_556 = arith.shrui %squeeze3A_552, %shift_right_logical3A_555 : i32
        %and3A_557 = arith.constant 7 : i32
        %and3A_558 = arith.andi %squeeze3A_552, %and3A_557 : i32
        %dma_start3A_559 = arith.constant 0 : i32
        %dma_start3A_560 = tpu.memref_slice %arg9[%add3A_550, %dma_start3A_559] : memref<128x32xf32, #tpu.memory_space<vmem>> -> memref<1x32xf32, #tpu.memory_space<vmem>>
        %dma_start3A_561 = tpu.memref_squeeze %dma_start3A_560 : memref<1x32xf32, #tpu.memory_space<vmem>> -> memref<32xf32, #tpu.memory_space<vmem>>
        %dma_start3A_562 = tpu.memref_reshape %arg4 : memref<1000000x32xf32, #tpu.memory_space<hbm>> -> memref<125000x8x32xf32, #tpu.memory_space<hbm>>
        %dma_start3A_563 = arith.constant 0 : i32
        %dma_start3A_564 = tpu.memref_slice %dma_start3A_562[%shift_right_logical3A_556, %and3A_558, %dma_start3A_563] : memref<125000x8x32xf32, #tpu.memory_space<hbm>> -> memref<1x1x32xf32, #tpu.memory_space<hbm>>
        %dma_start3A_565 = tpu.memref_squeeze %dma_start3A_564 : memref<1x1x32xf32, #tpu.memory_space<hbm>> -> memref<32xf32, #tpu.memory_space<hbm>>
        %dma_start3A_566 = arith.constant 0 : i32
        %dma_start3A_567 = tpu.memref_slice %arg9[%add3A_550, %dma_start3A_566] : memref<128x32xf32, #tpu.memory_space<vmem>> -> memref<1x32xf32, #tpu.memory_space<vmem>>
        %dma_start3A_568 = tpu.memref_squeeze %dma_start3A_567 : memref<1x32xf32, #tpu.memory_space<vmem>> -> memref<32xf32, #tpu.memory_space<vmem>>
        %dma_start3A_569 = tpu.memref_reshape %arg4 : memref<1000000x32xf32, #tpu.memory_space<hbm>> -> memref<125000x8x32xf32, #tpu.memory_space<hbm>>
        %dma_start3A_570 = arith.constant 0 : i32
        %dma_start3A_571 = tpu.memref_slice %dma_start3A_569[%shift_right_logical3A_556, %and3A_558, %dma_start3A_570] : memref<125000x8x32xf32, #tpu.memory_space<hbm>> -> memref<1x1x32xf32, #tpu.memory_space<hbm>>
        %dma_start3A_572 = tpu.memref_squeeze %dma_start3A_571 : memref<1x1x32xf32, #tpu.memory_space<hbm>> -> memref<32xf32, #tpu.memory_space<hbm>>
        tpu.enqueue_dma source(%dma_start3A_572 : memref<32xf32, #tpu.memory_space<hbm>>) target(%dma_start3A_568 : memref<32xf32, #tpu.memory_space<vmem>>) target_semaphore(%arg12 : memref<!tpu.dma_semaphore, #tpu.memory_space<semaphore_mem>>)
        %shift_right_logical3A_573 = arith.constant 3 : i32
        %shift_right_logical3A_574 = arith.shrui %squeeze3A_554, %shift_right_logical3A_573 : i32
        %and3A_575 = arith.constant 7 : i32
        %and3A_576 = arith.andi %squeeze3A_554, %and3A_575 : i32
        %dma_start3A_577 = arith.constant 0 : i32
        %dma_start3A_578 = tpu.memref_slice %arg10[%add3A_550, %dma_start3A_577] : memref<128x32xf32, #tpu.memory_space<vmem>> -> memref<1x32xf32, #tpu.memory_space<vmem>>
        %dma_start3A_579 = tpu.memref_squeeze %dma_start3A_578 : memref<1x32xf32, #tpu.memory_space<vmem>> -> memref<32xf32, #tpu.memory_space<vmem>>
        %dma_start3A_580 = tpu.memref_reshape %arg5 : memref<1000000x32xf32, #tpu.memory_space<hbm>> -> memref<125000x8x32xf32, #tpu.memory_space<hbm>>
        %dma_start3A_581 = arith.constant 0 : i32
        %dma_start3A_582 = tpu.memref_slice %dma_start3A_580[%shift_right_logical3A_574, %and3A_576, %dma_start3A_581] : memref<125000x8x32xf32, #tpu.memory_space<hbm>> -> memref<1x1x32xf32, #tpu.memory_space<hbm>>
        %dma_start3A_583 = tpu.memref_squeeze %dma_start3A_582 : memref<1x1x32xf32, #tpu.memory_space<hbm>> -> memref<32xf32, #tpu.memory_space<hbm>>
        %dma_start3A_584 = arith.constant 0 : i32
        %dma_start3A_585 = tpu.memref_slice %arg10[%add3A_550, %dma_start3A_584] : memref<128x32xf32, #tpu.memory_space<vmem>> -> memref<1x32xf32, #tpu.memory_space<vmem>>
        %dma_start3A_586 = tpu.memref_squeeze %dma_start3A_585 : memref<1x32xf32, #tpu.memory_space<vmem>> -> memref<32xf32, #tpu.memory_space<vmem>>
        %dma_start3A_587 = tpu.memref_reshape %arg5 : memref<1000000x32xf32, #tpu.memory_space<hbm>> -> memref<125000x8x32xf32, #tpu.memory_space<hbm>>
        %dma_start3A_588 = arith.constant 0 : i32
        %dma_start3A_589 = tpu.memref_slice %dma_start3A_587[%shift_right_logical3A_574, %and3A_576, %dma_start3A_588] : memref<125000x8x32xf32, #tpu.memory_space<hbm>> -> memref<1x1x32xf32, #tpu.memory_space<hbm>>
        %dma_start3A_590 = tpu.memref_squeeze %dma_start3A_589 : memref<1x1x32xf32, #tpu.memory_space<hbm>> -> memref<32xf32, #tpu.memory_space<hbm>>
        tpu.enqueue_dma source(%dma_start3A_590 : memref<32xf32, #tpu.memory_space<hbm>>) target(%dma_start3A_586 : memref<32xf32, #tpu.memory_space<vmem>>) target_semaphore(%arg12 : memref<!tpu.dma_semaphore, #tpu.memory_space<semaphore_mem>>)
        %mul3A_591 = arith.constant 16 : i32
        %mul3A_592 = arith.muli %scan3A_37, %mul3A_591 : i32
        %add3A_593 = arith.constant 14 : i32
        %add3A_594 = arith.addi %mul3A_592, %add3A_593 : i32
        %slice3A_595 = vector.extract_strided_slice %get3A_44 {offsets = [14], sizes = [1], strides = [1]} : vector<16xi32> to vector<1xi32>
        %squeeze3A_596 = vector.extract %slice3A_595[0] : i32 from vector<1xi32>
        %slice3A_597 = vector.extract_strided_slice %get3A_51 {offsets = [14], sizes = [1], strides = [1]} : vector<16xi32> to vector<1xi32>
        %squeeze3A_598 = vector.extract %slice3A_597[0] : i32 from vector<1xi32>
        %shift_right_logical3A_599 = arith.constant 3 : i32
        %shift_right_logical3A_600 = arith.shrui %squeeze3A_596, %shift_right_logical3A_599 : i32
        %and3A_601 = arith.constant 7 : i32
        %and3A_602 = arith.andi %squeeze3A_596, %and3A_601 : i32
        %dma_start3A_603 = arith.constant 0 : i32
        %dma_start3A_604 = tpu.memref_slice %arg9[%add3A_594, %dma_start3A_603] : memref<128x32xf32, #tpu.memory_space<vmem>> -> memref<1x32xf32, #tpu.memory_space<vmem>>
        %dma_start3A_605 = tpu.memref_squeeze %dma_start3A_604 : memref<1x32xf32, #tpu.memory_space<vmem>> -> memref<32xf32, #tpu.memory_space<vmem>>
        %dma_start3A_606 = tpu.memref_reshape %arg4 : memref<1000000x32xf32, #tpu.memory_space<hbm>> -> memref<125000x8x32xf32, #tpu.memory_space<hbm>>
        %dma_start3A_607 = arith.constant 0 : i32
        %dma_start3A_608 = tpu.memref_slice %dma_start3A_606[%shift_right_logical3A_600, %and3A_602, %dma_start3A_607] : memref<125000x8x32xf32, #tpu.memory_space<hbm>> -> memref<1x1x32xf32, #tpu.memory_space<hbm>>
        %dma_start3A_609 = tpu.memref_squeeze %dma_start3A_608 : memref<1x1x32xf32, #tpu.memory_space<hbm>> -> memref<32xf32, #tpu.memory_space<hbm>>
        %dma_start3A_610 = arith.constant 0 : i32
        %dma_start3A_611 = tpu.memref_slice %arg9[%add3A_594, %dma_start3A_610] : memref<128x32xf32, #tpu.memory_space<vmem>> -> memref<1x32xf32, #tpu.memory_space<vmem>>
        %dma_start3A_612 = tpu.memref_squeeze %dma_start3A_611 : memref<1x32xf32, #tpu.memory_space<vmem>> -> memref<32xf32, #tpu.memory_space<vmem>>
        %dma_start3A_613 = tpu.memref_reshape %arg4 : memref<1000000x32xf32, #tpu.memory_space<hbm>> -> memref<125000x8x32xf32, #tpu.memory_space<hbm>>
        %dma_start3A_614 = arith.constant 0 : i32
        %dma_start3A_615 = tpu.memref_slice %dma_start3A_613[%shift_right_logical3A_600, %and3A_602, %dma_start3A_614] : memref<125000x8x32xf32, #tpu.memory_space<hbm>> -> memref<1x1x32xf32, #tpu.memory_space<hbm>>
        %dma_start3A_616 = tpu.memref_squeeze %dma_start3A_615 : memref<1x1x32xf32, #tpu.memory_space<hbm>> -> memref<32xf32, #tpu.memory_space<hbm>>
        tpu.enqueue_dma source(%dma_start3A_616 : memref<32xf32, #tpu.memory_space<hbm>>) target(%dma_start3A_612 : memref<32xf32, #tpu.memory_space<vmem>>) target_semaphore(%arg12 : memref<!tpu.dma_semaphore, #tpu.memory_space<semaphore_mem>>)
        %shift_right_logical3A_617 = arith.constant 3 : i32
        %shift_right_logical3A_618 = arith.shrui %squeeze3A_598, %shift_right_logical3A_617 : i32
        %and3A_619 = arith.constant 7 : i32
        %and3A_620 = arith.andi %squeeze3A_598, %and3A_619 : i32
        %dma_start3A_621 = arith.constant 0 : i32
        %dma_start3A_622 = tpu.memref_slice %arg10[%add3A_594, %dma_start3A_621] : memref<128x32xf32, #tpu.memory_space<vmem>> -> memref<1x32xf32, #tpu.memory_space<vmem>>
        %dma_start3A_623 = tpu.memref_squeeze %dma_start3A_622 : memref<1x32xf32, #tpu.memory_space<vmem>> -> memref<32xf32, #tpu.memory_space<vmem>>
        %dma_start3A_624 = tpu.memref_reshape %arg5 : memref<1000000x32xf32, #tpu.memory_space<hbm>> -> memref<125000x8x32xf32, #tpu.memory_space<hbm>>
        %dma_start3A_625 = arith.constant 0 : i32
        %dma_start3A_626 = tpu.memref_slice %dma_start3A_624[%shift_right_logical3A_618, %and3A_620, %dma_start3A_625] : memref<125000x8x32xf32, #tpu.memory_space<hbm>> -> memref<1x1x32xf32, #tpu.memory_space<hbm>>
        %dma_start3A_627 = tpu.memref_squeeze %dma_start3A_626 : memref<1x1x32xf32, #tpu.memory_space<hbm>> -> memref<32xf32, #tpu.memory_space<hbm>>
        %dma_start3A_628 = arith.constant 0 : i32
        %dma_start3A_629 = tpu.memref_slice %arg10[%add3A_594, %dma_start3A_628] : memref<128x32xf32, #tpu.memory_space<vmem>> -> memref<1x32xf32, #tpu.memory_space<vmem>>
        %dma_start3A_630 = tpu.memref_squeeze %dma_start3A_629 : memref<1x32xf32, #tpu.memory_space<vmem>> -> memref<32xf32, #tpu.memory_space<vmem>>
        %dma_start3A_631 = tpu.memref_reshape %arg5 : memref<1000000x32xf32, #tpu.memory_space<hbm>> -> memref<125000x8x32xf32, #tpu.memory_space<hbm>>
        %dma_start3A_632 = arith.constant 0 : i32
        %dma_start3A_633 = tpu.memref_slice %dma_start3A_631[%shift_right_logical3A_618, %and3A_620, %dma_start3A_632] : memref<125000x8x32xf32, #tpu.memory_space<hbm>> -> memref<1x1x32xf32, #tpu.memory_space<hbm>>
        %dma_start3A_634 = tpu.memref_squeeze %dma_start3A_633 : memref<1x1x32xf32, #tpu.memory_space<hbm>> -> memref<32xf32, #tpu.memory_space<hbm>>
        tpu.enqueue_dma source(%dma_start3A_634 : memref<32xf32, #tpu.memory_space<hbm>>) target(%dma_start3A_630 : memref<32xf32, #tpu.memory_space<vmem>>) target_semaphore(%arg12 : memref<!tpu.dma_semaphore, #tpu.memory_space<semaphore_mem>>)
        %mul3A_635 = arith.constant 16 : i32
        %mul3A_636 = arith.muli %scan3A_37, %mul3A_635 : i32
        %add3A_637 = arith.constant 15 : i32
        %add3A_638 = arith.addi %mul3A_636, %add3A_637 : i32
        %slice3A_639 = vector.extract_strided_slice %get3A_44 {offsets = [15], sizes = [1], strides = [1]} : vector<16xi32> to vector<1xi32>
        %squeeze3A_640 = vector.extract %slice3A_639[0] : i32 from vector<1xi32>
        %slice3A_641 = vector.extract_strided_slice %get3A_51 {offsets = [15], sizes = [1], strides = [1]} : vector<16xi32> to vector<1xi32>
        %squeeze3A_642 = vector.extract %slice3A_641[0] : i32 from vector<1xi32>
        %shift_right_logical3A_643 = arith.constant 3 : i32
        %shift_right_logical3A_644 = arith.shrui %squeeze3A_640, %shift_right_logical3A_643 : i32
        %and3A_645 = arith.constant 7 : i32
        %and3A_646 = arith.andi %squeeze3A_640, %and3A_645 : i32
        %dma_start3A_647 = arith.constant 0 : i32
        %dma_start3A_648 = tpu.memref_slice %arg9[%add3A_638, %dma_start3A_647] : memref<128x32xf32, #tpu.memory_space<vmem>> -> memref<1x32xf32, #tpu.memory_space<vmem>>
        %dma_start3A_649 = tpu.memref_squeeze %dma_start3A_648 : memref<1x32xf32, #tpu.memory_space<vmem>> -> memref<32xf32, #tpu.memory_space<vmem>>
        %dma_start3A_650 = tpu.memref_reshape %arg4 : memref<1000000x32xf32, #tpu.memory_space<hbm>> -> memref<125000x8x32xf32, #tpu.memory_space<hbm>>
        %dma_start3A_651 = arith.constant 0 : i32
        %dma_start3A_652 = tpu.memref_slice %dma_start3A_650[%shift_right_logical3A_644, %and3A_646, %dma_start3A_651] : memref<125000x8x32xf32, #tpu.memory_space<hbm>> -> memref<1x1x32xf32, #tpu.memory_space<hbm>>
        %dma_start3A_653 = tpu.memref_squeeze %dma_start3A_652 : memref<1x1x32xf32, #tpu.memory_space<hbm>> -> memref<32xf32, #tpu.memory_space<hbm>>
        %dma_start3A_654 = arith.constant 0 : i32
        %dma_start3A_655 = tpu.memref_slice %arg9[%add3A_638, %dma_start3A_654] : memref<128x32xf32, #tpu.memory_space<vmem>> -> memref<1x32xf32, #tpu.memory_space<vmem>>
        %dma_start3A_656 = tpu.memref_squeeze %dma_start3A_655 : memref<1x32xf32, #tpu.memory_space<vmem>> -> memref<32xf32, #tpu.memory_space<vmem>>
        %dma_start3A_657 = tpu.memref_reshape %arg4 : memref<1000000x32xf32, #tpu.memory_space<hbm>> -> memref<125000x8x32xf32, #tpu.memory_space<hbm>>
        %dma_start3A_658 = arith.constant 0 : i32
        %dma_start3A_659 = tpu.memref_slice %dma_start3A_657[%shift_right_logical3A_644, %and3A_646, %dma_start3A_658] : memref<125000x8x32xf32, #tpu.memory_space<hbm>> -> memref<1x1x32xf32, #tpu.memory_space<hbm>>
        %dma_start3A_660 = tpu.memref_squeeze %dma_start3A_659 : memref<1x1x32xf32, #tpu.memory_space<hbm>> -> memref<32xf32, #tpu.memory_space<hbm>>
        tpu.enqueue_dma source(%dma_start3A_660 : memref<32xf32, #tpu.memory_space<hbm>>) target(%dma_start3A_656 : memref<32xf32, #tpu.memory_space<vmem>>) target_semaphore(%arg12 : memref<!tpu.dma_semaphore, #tpu.memory_space<semaphore_mem>>)
        %shift_right_logical3A_661 = arith.constant 3 : i32
        %shift_right_logical3A_662 = arith.shrui %squeeze3A_642, %shift_right_logical3A_661 : i32
        %and3A_663 = arith.constant 7 : i32
        %and3A_664 = arith.andi %squeeze3A_642, %and3A_663 : i32
        %dma_start3A_665 = arith.constant 0 : i32
        %dma_start3A_666 = tpu.memref_slice %arg10[%add3A_638, %dma_start3A_665] : memref<128x32xf32, #tpu.memory_space<vmem>> -> memref<1x32xf32, #tpu.memory_space<vmem>>
        %dma_start3A_667 = tpu.memref_squeeze %dma_start3A_666 : memref<1x32xf32, #tpu.memory_space<vmem>> -> memref<32xf32, #tpu.memory_space<vmem>>
        %dma_start3A_668 = tpu.memref_reshape %arg5 : memref<1000000x32xf32, #tpu.memory_space<hbm>> -> memref<125000x8x32xf32, #tpu.memory_space<hbm>>
        %dma_start3A_669 = arith.constant 0 : i32
        %dma_start3A_670 = tpu.memref_slice %dma_start3A_668[%shift_right_logical3A_662, %and3A_664, %dma_start3A_669] : memref<125000x8x32xf32, #tpu.memory_space<hbm>> -> memref<1x1x32xf32, #tpu.memory_space<hbm>>
        %dma_start3A_671 = tpu.memref_squeeze %dma_start3A_670 : memref<1x1x32xf32, #tpu.memory_space<hbm>> -> memref<32xf32, #tpu.memory_space<hbm>>
        %dma_start3A_672 = arith.constant 0 : i32
        %dma_start3A_673 = tpu.memref_slice %arg10[%add3A_638, %dma_start3A_672] : memref<128x32xf32, #tpu.memory_space<vmem>> -> memref<1x32xf32, #tpu.memory_space<vmem>>
        %dma_start3A_674 = tpu.memref_squeeze %dma_start3A_673 : memref<1x32xf32, #tpu.memory_space<vmem>> -> memref<32xf32, #tpu.memory_space<vmem>>
        %dma_start3A_675 = tpu.memref_reshape %arg5 : memref<1000000x32xf32, #tpu.memory_space<hbm>> -> memref<125000x8x32xf32, #tpu.memory_space<hbm>>
        %dma_start3A_676 = arith.constant 0 : i32
        %dma_start3A_677 = tpu.memref_slice %dma_start3A_675[%shift_right_logical3A_662, %and3A_664, %dma_start3A_676] : memref<125000x8x32xf32, #tpu.memory_space<hbm>> -> memref<1x1x32xf32, #tpu.memory_space<hbm>>
        %dma_start3A_678 = tpu.memref_squeeze %dma_start3A_677 : memref<1x1x32xf32, #tpu.memory_space<hbm>> -> memref<32xf32, #tpu.memory_space<hbm>>
        tpu.enqueue_dma source(%dma_start3A_678 : memref<32xf32, #tpu.memory_space<hbm>>) target(%dma_start3A_674 : memref<32xf32, #tpu.memory_space<vmem>>) target_semaphore(%arg12 : memref<!tpu.dma_semaphore, #tpu.memory_space<semaphore_mem>>)
        %scan3A_679 = arith.constant 0 : i32
        scf.yield %scan3A_679 : i32
      }
      %scan3A_17 = arith.constant 8 : i32
      %dma_wait3A = arith.constant 0 : i32
      %dma_wait3A_18 = arith.constant 0 : i32
      %dma_wait3A_19 = tpu.memref_slice %arg4[%dma_wait3A, %dma_wait3A_18] : memref<1000000x32xf32, #tpu.memory_space<hbm>> -> memref<128x32xf32, #tpu.memory_space<hbm>>
      %dma_wait3A_20 = arith.constant 0 : i32
      %dma_wait3A_21 = arith.constant 0 : i32
      %dma_wait3A_22 = tpu.memref_slice %arg4[%dma_wait3A_20, %dma_wait3A_21] : memref<1000000x32xf32, #tpu.memory_space<hbm>> -> memref<128x32xf32, #tpu.memory_space<hbm>>
      tpu.wait_dma2 semaphore(%arg12 : memref<!tpu.dma_semaphore, #tpu.memory_space<semaphore_mem>>) src(%dma_wait3A_22 : memref<128x32xf32, #tpu.memory_space<hbm>>) dst(%arg9 : memref<128x32xf32, #tpu.memory_space<vmem>>)
      %dma_wait3A_23 = arith.constant 0 : i32
      %dma_wait3A_24 = arith.constant 0 : i32
      %dma_wait3A_25 = tpu.memref_slice %arg5[%dma_wait3A_23, %dma_wait3A_24] : memref<1000000x32xf32, #tpu.memory_space<hbm>> -> memref<128x32xf32, #tpu.memory_space<hbm>>
      %dma_wait3A_26 = arith.constant 0 : i32
      %dma_wait3A_27 = arith.constant 0 : i32
      %dma_wait3A_28 = tpu.memref_slice %arg5[%dma_wait3A_26, %dma_wait3A_27] : memref<1000000x32xf32, #tpu.memory_space<hbm>> -> memref<128x32xf32, #tpu.memory_space<hbm>>
      tpu.wait_dma2 semaphore(%arg12 : memref<!tpu.dma_semaphore, #tpu.memory_space<semaphore_mem>>) src(%dma_wait3A_28 : memref<128x32xf32, #tpu.memory_space<hbm>>) dst(%arg10 : memref<128x32xf32, #tpu.memory_space<vmem>>)
      %scan3A_29 = arith.constant 0 : i32
      %scan3A_30 = arith.constant 0 : i32
      %scan3A_31 = arith.constant 8 : i32
      %scan3A_32 = arith.addi %scan3A_30, %scan3A_31 : i32
      %scan3A_33 = arith.constant 1 : i32
      %scan3A_34 = scf.for %scan3A_37 = %scan3A_30 to %scan3A_32 step %scan3A_33 iter_args(%scan3A_38 = %scan3A_29) -> (i32)  : i32 {
        %mul3A_39 = arith.constant 16 : i32
        %mul3A_40 = arith.muli %scan3A_37, %mul3A_39 : i32
        %add3A_41 = vector.broadcast %mul3A_40 : i32 to vector<16xi32>
        %add3A_42 = arith.addi %add3A_41, %iota3A : vector<16xi32>
        %broadcast_in_dim3A = arith.constant 0.000000e+00 : f32
        %broadcast_in_dim3A_43 = vector.broadcast %broadcast_in_dim3A : f32 to vector<16xf32>
        %scan3A_44 = arith.constant 0 : i32
        %scan3A_45 = arith.constant 32 : i32
        %scan3A_46 = arith.addi %scan3A_44, %scan3A_45 : i32
        %scan3A_47 = arith.constant 1 : i32
        %scan3A_48 = scf.for %scan3A_64 = %scan3A_44 to %scan3A_46 step %scan3A_47 iter_args(%scan3A_65 = %broadcast_in_dim3A_43) -> (vector<16xf32>)  : i32 {
          %broadcast_in_dim3A_66 = arith.constant 0 : i32
          %broadcast_in_dim3A_67 = vector.broadcast %broadcast_in_dim3A_66 : i32 to vector<16xi32>
          %add3A_68 = vector.broadcast %scan3A_64 : i32 to vector<16xi32>
          %add3A_69 = arith.addi %broadcast_in_dim3A_67, %add3A_68 : vector<16xi32>
          %gather3A = tpu.vector_load_idx %arg9[%add3A_42, %add3A_69] : memref<128x32xf32, #tpu.memory_space<vmem>>[vector<16xi32>, vector<16xi32>], vector<16xf32>,
          %gather3A_70 = tpu.vector_load_idx %arg10[%add3A_42, %add3A_69] : memref<128x32xf32, #tpu.memory_space<vmem>>[vector<16xi32>, vector<16xi32>], vector<16xf32>,
          %mul3A_71 = arith.mulf %gather3A, %gather3A_70 : vector<16xf32>
          %add3A_72 = arith.addf %scan3A_65, %mul3A_71 : vector<16xf32>
          scf.yield %add3A_72 : vector<16xf32>
        }
        %scan3A_49 = arith.constant 32 : i32
        %neg3A = arith.constant 0.000000e+00 : f32
        %neg3A_50 = vector.broadcast %neg3A : f32 to vector<16xf32>
        %neg3A_51 = arith.subf %neg3A_50, %scan3A_48 : vector<16xf32>
        %exp3A = math.exp %neg3A_51 : vector<16xf32>
        %add3A_52 = arith.constant 1.000000e+00 : f32
        %add3A_53 = vector.broadcast %add3A_52 : f32 to vector<16xf32>
        %add3A_54 = arith.addf %add3A_53, %exp3A : vector<16xf32>
        %div3A = arith.constant 1.000000e+00 : f32
        %div3A_55 = vector.broadcast %div3A : f32 to vector<16xf32>
        %div3A_56 = arith.divf %div3A_55, %add3A_54 : vector<16xf32>
        %mul3A_57 = arith.constant 128 : i32
        %mul3A_58 = arith.muli %scan3A_9, %mul3A_57 : i32
        %mul3A_59 = arith.constant 16 : i32
        %mul3A_60 = arith.muli %scan3A_37, %mul3A_59 : i32
        %add3A_61 = arith.addi %mul3A_58, %mul3A_60 : i32
        %swap3A = arith.index_cast %add3A_61 : i32 to index
        %swap3A_62 = tpu.vector_load %arg11[%swap3A] {strides = array<i32>} : memref<512xf32, #tpu.memory_space<vmem>>, vector<16xf32>,
        tpu.vector_store %arg11[%swap3A], %div3A_56 {strides = array<i32>} : memref<512xf32, #tpu.memory_space<vmem>>, vector<16xf32>,
        %scan3A_63 = arith.constant 0 : i32
        scf.yield %scan3A_63 : i32
      }
      %scan3A_35 = arith.constant 8 : i32
      %scan3A_36 = arith.constant 0 : i32
      scf.yield %scan3A_36 : i32
    }
    %scan3A_8 = arith.constant 4 : i32
    "tpu.region"() ({
      %run_scoped3A = tpu.sem_alloc : memref<!tpu.dma_semaphore, #tpu.memory_space<semaphore_mem>>
      %dma_start3A = tpu.memref_slice %arg6[%mul3A_2] : memref<16384xf32, #tpu.memory_space<hbm>> -> memref<512xf32, #tpu.memory_space<hbm>>
      %dma_start3A_9 = tpu.memref_slice %arg6[%mul3A_2] : memref<16384xf32, #tpu.memory_space<hbm>> -> memref<512xf32, #tpu.memory_space<hbm>>
      tpu.enqueue_dma source(%arg11 : memref<512xf32, #tpu.memory_space<vmem>>) target(%dma_start3A_9 : memref<512xf32, #tpu.memory_space<hbm>>) target_semaphore(%run_scoped3A : memref<!tpu.dma_semaphore, #tpu.memory_space<semaphore_mem>>)
      %dma_wait3A = tpu.memref_slice %arg6[%mul3A_2] : memref<16384xf32, #tpu.memory_space<hbm>> -> memref<512xf32, #tpu.memory_space<hbm>>
      %dma_wait3A_10 = tpu.memref_slice %arg6[%mul3A_2] : memref<16384xf32, #tpu.memory_space<hbm>> -> memref<512xf32, #tpu.memory_space<hbm>>
      tpu.wait_dma2 semaphore(%run_scoped3A : memref<!tpu.dma_semaphore, #tpu.memory_space<semaphore_mem>>) src(%arg11 : memref<512xf32, #tpu.memory_space<vmem>>) dst(%dma_wait3A_10 : memref<512xf32, #tpu.memory_space<hbm>>)
      tpu.yield
    }) : () -> ()
    return
  }
}

</mosaic_0001>

<sc_bundles>
// kernel: kernel.3.cloned.1.call-start
scs
__scs_entry_jumppad:
0x0: {  	(pc) =	sbr.rel $0x88, $3  }
0x1: {  	(tag) =	ssettag $0x0;
	lr =	simm.s32 $0x1  }
0x2: {  	[smem:$0x3F9D] =	sst lr;
	_ =	strace $0xD0000000  }
0x3: {  	_ = 	snop  }
0x4: {  	_ = 	snop  }
0x5: {  	_ = 	snop  }
0x6: {  	_ = 	snop  }
0x7: {  	_ = 	snop  }
__scs_overlays_trampoline_lowered:
0x8: {  	[smem:$0x3FAC] =	sst s0  }
0x9: {  	[smem:$0x3FAD] =	sst s1  }
0xa: {  	[smem:$0x3FAE] =	sst s2  }
0xb: {  	[smem:$0x3FAF] =	sst s3  }
0xc: {  	[smem:$0x3FB0] =	sst s4  }
0xd: {  	[smem:$0x3FB1] =	sst s5  }
0xe: {  	[smem:$0x3FB2] =	sst s6  }
0xf: {  	[smem:$0x3FB3] =	sst s7  }
0x10: {  	[smem:$0x3FB4] =	sst s8  }
0x11: {  	[smem:$0x3FB5] =	sst s9;
	s0 =	simm.s32 @!p0 $0x0  }
0x12: {  	s1 =	sld [smem:$0x3F9B];
	s0 =	simm.s32 @p0 $0x1  }
0x13: {  	[smem:$0x3FB6] =	sst s0;
	s0 =	simm.s32 @!p1 $0x0  }
0x14: {  	s2 =	sld [smem:$0x3F9A];
	s0 =	simm.s32 @p1 $0x1  }
0x15: {  	[smem:$0x3FB7] =	sst s0;
	s0 =	simm.s32 @!p2 $0x0  }
0x16: {  	s3 =	sld [smem:$0x3FDB];
	s0 =	simm.s32 @p2 $0x1  }
0x17: {  	s4 =	simm.s32 $0x1BF5;
	[smem:$0x3FB9] =	sst s0  }
0x18: {  	s0 =	sld [smem:$0x3F9C];
	_ =	swait.ge [sflag:s4], $0x0  }
0x19: {  	s7 =	sld [smem:$0x3F9D]  }
0x1a: {  	s8 =	sadd.s32 $0xFFFFE003, lr  }
0x1b: {  	s9 =	sadd.s32 $0xFFFFFEF7, lr;
	s5 =	simm.s32 $0xFFFFFFFF;
	p2 =	slt.u32 s8, $0xFFFFF086  }
0x1c: {  	p1 =	slt.u32 s9, $0xF7A;
	s5 =	simm.s32 @!p2 $0x0  }
0x1d: {  	s5 =	simm.s32 @p1 $0x1;
	p0 =	seq.s32 s7, s2  }
0x1e: {  	s7 =	smul.u32 @!p0 $0xF7A, s2;
	p2 =	seq.s32 @!p0 s5, $0x0  }
0x1f: {  	s9 =	smul.u32 $0xF7A, s1;
	s8 =	simm.s32 @!p0 $0x1BF5;
	p2 =	por !p2, p0  }
0x20: {  	[sflag:s8] =	ssyncset.s32 @!p0 $0xFFFFF086;
	s6 =	sadd.s32 @!p0 s3, s7;
	s7 =	simm.s32 @!p0 $0x108  }
0x21: {  	s3 =	sadd.s32 s3, s9;
	s6 =	sadd.s32 @!p0 $0x88, s6;
	s7 =	simm.s32 @p2 $0x1082  }
0x22: {  	[simem:s7], [sflag:s8] =	dma.local @!p0 [hbm:s6], $0xF7A  }
0x23: {  	s9 =	sor.u32 $0xD0000000, s2;
	s6 =	simm.s32 $0x108;
	_ =	swait.ge @!p0 [sflag:s8], $0x0  }
0x24: {  	s3 =	sadd.s32 $0x88, s3;
	s6 =	simm.s32 @!p1 $0x1082;
	[sflag:s4] =	ssyncset.s32 $0xFFFFF086  }
0x25: {  	[simem:s6], [sflag:s4] =	dma.local [hbm:s3], $0xF7A  }
0x26: {  	[smem:$0x3F9D] =	sst s1;
	(tag) =	ssettag s2;
	_ =	strace s9  }
0x27: {  	s1 =	sld [smem:$0x3FAD]  }
0x28: {  	s2 =	sld [smem:$0x3FAE]  }
0x29: {  	s4 =	sld [smem:$0x3FB0]  }
0x2a: {  	p0 =	seq.s32 s5, $0x0;
	s5 =	sld [smem:$0x3FB1]  }
0x2b: {  	s6 =	sld [smem:$0x3FB2]  }
0x2c: {  	s7 =	sld [smem:$0x3FB3]  }
0x2d: {  	s3 =	simm.s32 $0x108;
	s8 =	sld [smem:$0x3FB4]  }
0x2e: {  	s3 =	simm.s32 @!p0 $0x1082;
	s9 =	sld [smem:$0x3FB5]  }
0x2f: {  	lr =	sadd.s32 s0, s3;
	s0 =	sld [smem:$0x3FAC]  }
0x30: {  	s3 =	sld [smem:$0x3FAF]  }
0x31: {  	[smem:$0x3FB8] =	sst s10  }
0x32: {  	s10 =	sld [smem:$0x3FB6];
	_ =	sdelay $0x3  }
0x33: {  	p0 =	seq.s32 s10, $0x1;
	s10 =	sld [smem:$0x3FB8];
	_ =	sdelay $0x3  }
0x34: {  	[smem:$0x3FB8] =	sst s10  }
0x35: {  	s10 =	sld [smem:$0x3FB7];
	_ =	sdelay $0x3  }
0x36: {  	p1 =	seq.s32 s10, $0x1;
	s10 =	sld [smem:$0x3FB8];
	_ =	sdelay $0x3  }
0x37: {  	[smem:$0x3FB8] =	sst s10  }
0x38: {  	s10 =	sld [smem:$0x3FB9]  }
0x39: {  	_ = 	snop;
	(pc) =	sbr.ind lr, $3  }
0x3a: {  	_ = 	snop  }
0x3b: {  	_ = 	snop  }
0x3c: {  	p2 =	seq.s32 s10, $0x1;
	s10 =	sld [smem:$0x3FB8]  }
0x3d: {  	_ =	shalt  }
0x3e: {  	_ =	shalt  }
0x3f: {  	_ =	shalt  }
0x40: {  	_ =	shalt  }
0x41: {  	_ =	shalt  }
0x42: {  	_ =	shalt  }
0x43: {  	_ =	shalt  }
0x44: {  	_ =	shalt  }
0x45: {  	_ =	shalt  }
0x46: {  	_ =	shalt  }
0x47: {  	_ =	shalt  }
0x48: {  	_ =	shalt  }
0x49: {  	_ =	shalt  }
0x4a: {  	_ =	shalt  }
0x4b: {  	_ =	shalt  }
0x4c: {  	_ =	shalt  }
0x4d: {  	_ =	shalt  }
0x4e: {  	_ =	shalt  }
0x4f: {  	_ =	shalt  }
0x50: {  	_ =	shalt  }
0x51: {  	_ =	shalt  }
0x52: {  	_ =	shalt  }
0x53: {  	_ =	shalt  }
0x54: {  	_ =	shalt  }
0x55: {  	_ =	shalt  }
0x56: {  	_ =	shalt  }
0x57: {  	_ =	shalt  }
0x58: {  	_ =	shalt  }
0x59: {  	_ =	shalt  }
0x5a: {  	_ =	shalt  }
0x5b: {  	_ =	shalt  }
0x5c: {  	_ =	shalt  }
0x5d: {  	_ =	shalt  }
0x5e: {  	_ =	shalt  }
0x5f: {  	_ =	shalt  }
0x60: {  	_ =	shalt  }
0x61: {  	_ =	shalt  }
0x62: {  	_ =	shalt  }
0x63: {  	_ =	shalt  }
0x64: {  	_ =	shalt  }
0x65: {  	_ =	shalt  }
0x66: {  	_ =	shalt  }
0x67: {  	_ =	shalt  }
0x68: {  	_ =	shalt  }
0x69: {  	_ =	shalt  }
0x6a: {  	_ =	shalt  }
0x6b: {  	_ =	shalt  }
0x6c: {  	_ =	shalt  }
0x6d: {  	_ =	shalt  }
0x6e: {  	_ =	shalt  }
0x6f: {  	_ =	shalt  }
0x70: {  	_ =	shalt  }
0x71: {  	_ =	shalt  }
0x72: {  	_ =	shalt  }
0x73: {  	_ =	shalt  }
0x74: {  	_ =	shalt  }
0x75: {  	_ =	shalt  }
0x76: {  	_ =	shalt  }
0x77: {  	_ =	shalt  }
0x78: {  	_ =	shalt  }
0x79: {  	_ =	shalt  }
0x7a: {  	_ =	shalt  }
0x7b: {  	_ =	shalt  }
0x7c: {  	_ =	shalt  }
0x7d: {  	_ =	shalt  }
0x7e: {  	_ =	shalt  }
0x7f: {  	_ =	shalt  }
0x80: {  	_ =	shalt  }
0x81: {  	_ =	shalt  }
0x82: {  	_ =	shalt  }
0x83: {  	_ =	shalt  }
0x84: {  	_ =	shalt  }
0x85: {  	_ =	shalt  }
0x86: {  	_ =	shalt  }
0x87: {  	_ =	shalt  }
.Lfunc_end0:
.L_simem_size_0:
called_computation_lowered:
.L_overlay_start_0:
0x88: {  	s2 =	sld [smem:$0x3FD9]  }
0x89: {  	s3 =	sld [smem:$0x3FFE];
	_ =	sdelay $0x1  }
0x8a: {  	s1 =	srdreg.scid  }
0x8b: {  	s0 =	sand.u32 $0x1, s1  }
0x8c: {  	s17 =	sshll.u32 s0, $0xA;
	s2 =	sadd.s32 s3, s2  }
0x8d: {  	s2 =	sadd.s32 s2, s17  }
0x8e: {  	[smem:$0x3FC4] =	sst s2  }
0x8f: {  	_ = 	snop  }
0x90: {  	s2 =	sld [smem:$0x3FC9]  }
0x91: {  	s18 =	sld [smem:$0x3FC8]  }
0x92: {  	s4 =	sld [smem:$0x3FD0];
	(tm) =	ssettm $0x1  }
0x93: {  	s5 =	sld [smem:$0x3FFB];
	_ =	sdelay $0x3  }
0x94: {  	_ =	strace s5  }
0x95: {  	s5 =	sld [smem:$0x3FFC];
	_ =	sdelay $0x3  }
0x96: {  	_ =	strace s5  }
0x97: {  	s5 =	sld [smem:$0x3FFD];
	_ =	sdelay $0x3  }
0x98: {  	_ =	strace s5  }
0x99: {  	_ =	strace $0x8FFFFFFF  }
0x9a: {  	s19 =	sld [smem:$0x3FDB];
	_ =	sdelay $0x1  }
0x9b: {  	s6 =	simm.s32 $_scs_section_size  }
0x9c: {  	s7 =	simm.s32 $_size__tile_overlayer_lowered;
	s8 =	simm.s32 $_tile_overlayer_lowered  }
0x9d: {  	s22 =	simm.s32 $0x1BFF;
	s21 =	sshll.u32 s8, $0x1;
	s5 =	sadd.s32 s6, s19  }
0x9e: {  	s9 =	simm.s32 $0x0;
	s20 =	sshll.u32 s7, $0x1;
	s7 =	sadd.s32 s21, s5  }
0x9f: {  	[timem:s9], [sflag:s22] =	dma.local [hbm:s7], s20  }
0xa0: {  	_ =	swait.ge [sflag:s22], s20  }
0xa1: {  	s6 =	ssub.s32 $0x0, s20;
	[sflag:s22] =	ssyncset.done $0x0  }
0xa2: {  	[sflag:s22] =	ssyncadd.s32 s6;
	_ =	sdelay $0x1  }
0xa3: {  	s23 =	simm.s32 $0x1B8B  }
0xa4: {  	_ =	swait.ge [sflag:s23], $0x1  }
0xa5: {  	[sflag:s23] =	ssyncset.done $0x0  }
0xa6: {  	s25 =	simm.s32 $0x1B8E;
	s24 =	sld [smem:$0x3FFE];
	[sflag:s23] =	ssyncadd.s32 $0xFFFFFFFF  }
0xa7: {  	s26 =	simm.s32 $execute0_lowered;
	[smem:$0x3FD2] =	sst s25  }
0xa8: {  	s7 =	sshll.u32 s26, $0x1;
	_ =	strace $0x80000046;
	[dreg:$0x1] =	wrdreg $0xFFFFFFFF  }
0xa9: {  	s28 =	simm.s32 $_size_execute0_lowered;
	s5 =	sadd.s32 s5, s7;
	[dreg:$0x0] =	wrdreg $0x0  }
0xaa: {  	s7 =	sshll.u32 s28, $0x1;
	[dreg:$0x2] =	wrdreg s5  }
0xab: {  	[dreg:$0x3] =	wrdreg s7  }
0xac: {  	[dreg:$0x4] =	wrdreg $0xC0  }
0xad: {  	_ =	task [dreg:s9], $0x5FFFF  }
0xae: {  	[dreg:$0x1] =	wrdreg $0xFFFFFFFF  }
0xaf: {  	[dreg:$0x0] =	wrdreg $0x60  }
0xb0: {  	[dreg:$0x2] =	wrdreg s2  }
0xb1: {  	[dreg:$0x3] =	wrdreg s18  }
0xb2: {  	[dreg:$0x4] =	wrdreg s24  }
0xb3: {  	[dreg:$0x5] =	wrdreg s4  }
0xb4: {  	[dreg:$0x6] =	wrdreg $0x9  }
0xb5: {  	_ =	task.clear_ibuf [dreg:s9], $0x7FFFF;
	_ =	strace $0x90000046  }
0xb6: {  	s29 =	simm.s32 $0x9;
	_ =	strace $0x80000048  }
0xb7: {  	_ =	swait.ge [sflag:s29], $0x1  }
0xb8: {  	[sflag:s29] =	ssyncadd.s32 $0xFFFFFFFF  }
0xb9: {  	_ =	strace $0x90000048  }
0xba: {  	_ =	sfence  }
0xbb: {  	s30 =	sld [smem:$0x0];
	_ =	sdelay $0x2  }
0xbc: {  	s31 =	sshll.u32 s1, $0xD;
	s1 =	sshrl.u32 s1, $0x2  }
0xbd: {  	s3 =	sand.u32 $0x4000, s31;
	s1 =	sadd.s32 s1, s30  }
0xbe: {  	s0 =	sor.u32 s3, s0;
	s1 =	sshll.u32 s1, $0x11  }
0xbf: {  	s0 =	sor.u32 s1, s0  }
0xc0: {  	s0 =	sadd.s32 $0x8F2B, s0  }
0xc1: {  	[sflag:s0] =	ssyncadd.remote.s32 $0x1  }
0xc2: {  	_ =	sfence.sel $0xFFFF  }
0xc3: {  	[dreg:$0x0] =	wrdreg $0xFFFFFFFF;
	(pc) =	sbr.abs _section_cstart, $3  }
0xc4: {  	[dreg:$0x1] =	wrdreg $0xFFFFFFFF  }
0xc5: {  	_ =	task.clear_ibuf [dreg:s9], $0x2FFFF;
	_ =	strace $0x9FFFFFFF  }
0xc6: {  	(tm) =	ssettm $0x7FFFFFFF  }
0xc7: {  	_ =	shalt  }
tec
execute0_lowered:
.L_overlay_start_1:
0x0: {  	(tag) =	ssettag $0x1  }
0x1: {  	s0 =	rddreg [dreg:$0x0]  }
0x2: {  	s1 =	rddreg [dreg:$0x1]  }
0x3: {  	s4 =	rddreg [dreg:$0x2]  }
0x4: {  	s5 =	rddreg [dreg:$0x3];
	s2 =	simm.s32 $0x0;
	s3 =	srdreg.scid  }
0x5: {  	s7 =	stileid.u32;
	s11 =	simm.s32 $0x400;
	s3 =	sand.u32 $0x1, s3  }
0x6: {  	[smem:$0x7FF] =	sst s2;
	s7 =	sshll.u32 s7, $0x7;
	s8 =	sshll.u32 s3, $0x6  }
0x7: {  	s12 =	simm.s32 $0x4400;
	_ =	strace $0x80000047;
	s7 =	sor.u32 s8, s7  }
0x8: {  	s6 =	ssub.s32 $0x2, s3;
	s3 =	sadd.s32 $0x400, s4;
	s0 =	sadd.s32 s0, s7  }
0x9: {  	s9 =	sshrl.u32 s6, $0x1;
	s29 =	sadd.s32 s1, s7;
	[dreg:$0x10] =	wrdreg s0  }
0xa: {  	s6 =	ssub.s32 s6, s9;
	s30 =	sadd.s32 s5, s7;
	[dreg:$0x11] =	wrdreg s29  }
0xb: {  	v0 =	vlaneseq.u32;
	s4 =	sadd.s32 $0xF42800, s4;
	[dreg:$0x12] =	wrdreg s30;
	s31 =	smax.u32 s6, $0x1  }
0xc: {  	v0 =	vmul.u32 $0x80, v0;
	s1 =	simm.s32 $0x2;
	s5 =	simm.s32 $0x0;
	[dreg:$0x13] =	wrdreg s31  }
.LBB2_1:
0xd: {  	[dreg:$0x14] =	wrdreg s5  }
0xe: {  	s0 =	rddreg [dreg:$0x10]  }
0xf: {  	[tilespmem:s2], [sflag:$0x2] =	stream.linear.gather [hbm4b:s0+s2], $0x200, $0x38;
	[tilespmem:$0x8600] =	vst v63  }
0x10: {  	_ =	swait.ge [sflag:s1], $0x200  }
0x11: {  	[sflag:s1] =	ssyncset.done $0x0  }
0x12: {  	s15 =	simm.s32 $0x200;
	s31 =	rddreg [dreg:$0x11];
	[sflag:s1] =	ssyncadd.s32 $0xFFFFFE00  }
0x13: {  	[tilespmem:s15], [sflag:$0x2] =	stream.linear.gather [hbm4b:s31+s2], $0x200, $0x38;
	[tilespmem:$0x8600] =	vst v63  }
0x14: {  	_ =	swait.ge [sflag:s1], $0x200  }
0x15: {  	[sflag:s1] =	ssyncset.done $0x0  }
0x16: {  	s16 =	simm.s32 $0x0;
	s7 =	simm.s32 $0x0;
	[sflag:s1] =	ssyncadd.s32 $0xFFFFFE00  }
.LBB2_2:
0x17: {  	v1 =	vld [tilespmem:s16+$0x0]  }
0x18: {  	v3 =	vld [tilespmem:s15+$0x0];
	_ =	sdelay $0x3  }
0x19: {  	v2 =	vshll.u32 v1, $0x4  }
0x1a: {  	v1 =	vshll.u32 v3, $0x4;
	(v2sf) =	vpush v2, $0x0  }
0x1b: {  	(v2sf) =	vpush v1, $0x0  }
0x1c: {  	(v2sf) =	vpush v2, $0x1;
	_ =	sdelay $0x1  }
0x1d: {  	(v2sf) =	vpush v1, $0x1  }
0x1e: {  	(v2sf) =	vpush v2, $0x2;
	_ =	sdelay $0x1  }
0x1f: {  	(v2sf) =	vpush v1, $0x2;
	_ =	sdelay $0x1  }
0x20: {  	(v2sf) =	vpush v2, $0x3  }
0x21: {  	[dreg:$0x17] =	wrdreg s7  }
0x22: {  	s19 =	simm.s32 $0x2000;
	s18 =	simm.s32 $0x0;
	s1 =	simm.s32 $0x4400  }
0x23: {  	s5 =	simm.s32 $0x680;
	s6 =	simm.s32 $0x880;
	s17 =	simm.s32 $0x400  }
0x24: {  	s9 =	simm.s32 $0x600;
	s0 =	simm.s32 $0x4900;
	s10 =	simm.s32 $0x580  }
0x25: {  	s7 =	simm.s32 $0x4580;
	s22 =	simm.s32 $0x480;
	s25 =	simm.s32 $0x4480  }
0x26: {  	s29 =	simm.s32 $0x500;
	s28 =	simm.s32 $0xA00;
	s8 =	spop (v2sf);
	(v2sf) =	vpush v1, $0x3  }
0x27: {  	[dreg:$0x15] =	wrdreg s15;
	s8 =	sand.u32 $0x1FFFFFF0, s8;
	s13 =	spop (v2sf)  }
0x28: {  	[dreg:$0x16] =	wrdreg s16;
	(v2sf) =	vpush v2, $0x4;
	s8 =	sadd.s32 s3, s8;
	s21 =	spop (v2sf)  }
0x29: {  	(v2sf) =	vpush v1, $0x4;
	[tilespmem:s17], [sflag:$0x1] =	stream.linear.gather [hbm4b:s8+s2], $0x80, $0x38;
	[tilespmem:$0x8600] =	vst v63  }
0x2a: {  	s20 =	sand.u32 $0x1FFFFFF0, s13;
	s13 =	sand.u32 $0x1FFFFFF0, s21;
	s14 =	spop (v2sf)  }
0x2b: {  	s8 =	sadd.s32 s4, s20;
	(v2sf) =	vpush v2, $0x5;
	s23 =	sadd.s32 s3, s13;
	s26 =	spop (v2sf)  }
0x2c: {  	(v2sf) =	vpush v1, $0x5;
	[tilespmem:s1], [sflag:$0x1] =	stream.linear.gather [hbm4b:s8+s2], $0x80, $0x38;
	[tilespmem:$0x8600] =	vst v63  }
0x2d: {  	s24 =	sand.u32 $0x1FFFFFF0, s14;
	s8 =	sand.u32 $0x1FFFFFF0, s26;
	s30 =	spop (v2sf)  }
0x2e: {  	(v2sf) =	vpush v2, $0x6;
	[tilespmem:s22], [sflag:$0x1] =	stream.linear.gather [hbm4b:s23+s2], $0x80, $0x38;
	[tilespmem:$0x8600] =	vst v63  }
0x2f: {  	s13 =	sadd.s32 s4, s24;
	s8 =	sadd.s32 s3, s8;
	s31 =	spop (v2sf)  }
0x30: {  	[tilespmem:s25], [sflag:$0x1] =	stream.linear.gather [hbm4b:s13+s2], $0x80, $0x38;
	[tilespmem:$0x8600] =	vst v63  }
0x31: {  	s14 =	sand.u32 $0x1FFFFFF0, s31;
	s22 =	simm.s32 $0x4600;
	s13 =	sand.u32 $0x1FFFFFF0, s30  }
0x32: {  	(v2sf) =	vpush v1, $0x6;
	[tilespmem:s29], [sflag:$0x1] =	stream.linear.gather [hbm4b:s8+s2], $0x80, $0x38;
	[tilespmem:$0x8600] =	vst v63  }
0x33: {  	s31 =	simm.s32 $0x700;
	s17 =	sadd.s32 s4, s13;
	s8 =	simm.s32 $0x4500  }
0x34: {  	[tilespmem:s8], [sflag:$0x1] =	stream.linear.gather [hbm4b:s17+s2], $0x80, $0x38;
	[tilespmem:$0x8600] =	vst v63  }
0x35: {  	s21 =	sadd.s32 s3, s14;
	s13 =	simm.s32 $0x4A00;
	s20 =	spop (v2sf)  }
0x36: {  	(v2sf) =	vpush v2, $0x7;
	[tilespmem:s10], [sflag:$0x1] =	stream.linear.gather [hbm4b:s21+s2], $0x80, $0x38;
	[tilespmem:$0x8600] =	vst v63  }
0x37: {  	s29 =	simm.s32 $0x4680;
	s1 =	sand.u32 $0x1FFFFFF0, s20;
	s23 =	spop (v2sf)  }
0x38: {  	(v2sf) =	vpush v1, $0x7;
	s1 =	sadd.s32 s4, s1;
	s10 =	sand.u32 $0x1FFFFFF0, s23;
	s24 =	spop (v2sf)  }
0x39: {  	(v2sf) =	vpush v2, $0x8;
	[tilespmem:s7], [sflag:$0x1] =	stream.linear.gather [hbm4b:s1+s2], $0x80, $0x38;
	[tilespmem:$0x8600] =	vst v63  }
0x3a: {  	s17 =	simm.s32 $0xA80;
	s25 =	sadd.s32 s3, s10;
	s30 =	spop (v2sf)  }
0x3b: {  	s26 =	sand.u32 $0x1FFFFFF0, s24;
	(v2sf) =	vpush v1, $0x8;
	s24 =	simm.s32 $0x4700;
	s10 =	spop (v2sf)  }
0x3c: {  	(v2sf) =	vpush v2, $0x9;
	[tilespmem:s9], [sflag:$0x1] =	stream.linear.gather [hbm4b:s25+s2], $0x80, $0x38;
	[tilespmem:$0x8600] =	vst v63  }
0x3d: {  	s7 =	sadd.s32 s4, s26;
	s9 =	sand.u32 $0x1FFFFFF0, s30;
	s14 =	spop (v2sf)  }
0x3e: {  	(v2sf) =	vpush v1, $0x9;
	[tilespmem:s22], [sflag:$0x1] =	stream.linear.gather [hbm4b:s7+s2], $0x80, $0x38;
	[tilespmem:$0x8600] =	vst v63  }
0x3f: {  	s8 =	sadd.s32 s3, s9;
	s9 =	sand.u32 $0x1FFFFFF0, s10;
	s21 =	sand.u32 $0x1FFFFFF0, s14;
	(v2sf) =	vpush v2, $0xA  }
0x40: {  	[tilespmem:s5], [sflag:$0x1] =	stream.linear.gather [hbm4b:s8+s2], $0x80, $0x38;
	[tilespmem:$0x8600] =	vst v63  }
0x41: {  	s10 =	simm.s32 $0x4A80;
	s20 =	sadd.s32 s4, s9;
	s22 =	spop (v2sf);
	(v2sf) =	vpush v1, $0xA  }
0x42: {  	[tilespmem:s29], [sflag:$0x1] =	stream.linear.gather [hbm4b:s20+s2], $0x80, $0x38;
	[tilespmem:$0x8600] =	vst v63  }
0x43: {  	s14 =	simm.s32 $0x800;
	s23 =	sadd.s32 s3, s21;
	s1 =	sand.u32 $0x1FFFFFF0, s22  }
0x44: {  	[tilespmem:s31], [sflag:$0x1] =	stream.linear.gather [hbm4b:s23+s2], $0x80, $0x38;
	[tilespmem:$0x8600] =	vst v63  }
0x45: {  	s7 =	simm.s32 $0x4780;
	s1 =	sadd.s32 s4, s1;
	s25 =	spop (v2sf)  }
0x46: {  	[tilespmem:s24], [sflag:$0x1] =	stream.linear.gather [hbm4b:s1+s2], $0x80, $0x38;
	[tilespmem:$0x8600] =	vst v63  }
0x47: {  	s22 =	simm.s32 $0x4800;
	(v2sf) =	vpush v2, $0xB;
	s8 =	sand.u32 $0x1FFFFFF0, s25;
	s26 =	spop (v2sf)  }
0x48: {  	s29 =	simm.s32 $0x780;
	s30 =	sadd.s32 s3, s8;
	s9 =	spop (v2sf)  }
0x49: {  	(v2sf) =	vpush v1, $0xB;
	[tilespmem:s29], [sflag:$0x1] =	stream.linear.gather [hbm4b:s30+s2], $0x80, $0x38;
	[tilespmem:$0x8600] =	vst v63  }
0x4a: {  	s5 =	simm.s32 $0x4980;
	s31 =	sand.u32 $0x1FFFFFF0, s26;
	s20 =	spop (v2sf)  }
0x4b: {  	s25 =	simm.s32 $0x4880;
	s8 =	sadd.s32 s4, s31;
	s21 =	spop (v2sf)  }
0x4c: {  	(v2sf) =	vpush v2, $0xC;
	[tilespmem:s7], [sflag:$0x1] =	stream.linear.gather [hbm4b:s8+s2], $0x80, $0x38;
	[tilespmem:$0x8600] =	vst v63  }
0x4d: {  	s29 =	simm.s32 $0x900;
	s7 =	sand.u32 $0x1FFFFFF0, s9;
	s26 =	spop (v2sf)  }
0x4e: {  	(v2sf) =	vpush v1, $0xC;
	s8 =	sand.u32 $0x1FFFFFF0, s20;
	s7 =	sadd.s32 s3, s7;
	s30 =	spop (v2sf)  }
0x4f: {  	[tilespmem:s14], [sflag:$0x1] =	stream.linear.gather [hbm4b:s7+s2], $0x80, $0x38;
	[tilespmem:$0x8600] =	vst v63  }
0x50: {  	s24 =	sand.u32 $0x1FFFFFF0, s21;
	s23 =	sadd.s32 s4, s8;
	s31 =	spop (v2sf)  }
0x51: {  	[tilespmem:s22], [sflag:$0x1] =	stream.linear.gather [hbm4b:s23+s2], $0x80, $0x38;
	[tilespmem:$0x8600] =	vst v63  }
0x52: {  	s8 =	sadd.s32 s3, s24;
	s7 =	sand.u32 $0x1FFFFFF0, s26;
	s20 =	sand.u32 $0x1FFFFFF0, s31  }
0x53: {  	[tilespmem:s6], [sflag:$0x1] =	stream.linear.gather [hbm4b:s8+s2], $0x80, $0x38;
	[tilespmem:$0x8600] =	vst v63  }
0x54: {  	s7 =	sadd.s32 s4, s7;
	s22 =	sadd.s32 s4, s20;
	s8 =	sand.u32 $0x1FFFFFF0, s30  }
0x55: {  	[tilespmem:s25], [sflag:$0x1] =	stream.linear.gather [hbm4b:s7+s2], $0x80, $0x38;
	[tilespmem:$0x8600] =	vst v63  }
0x56: {  	s14 =	sadd.s32 s3, s8;
	s25 =	simm.s32 $0x980;
	s21 =	spop (v2sf)  }
0x57: {  	[tilespmem:s29], [sflag:$0x1] =	stream.linear.gather [hbm4b:s14+s2], $0x80, $0x38;
	[tilespmem:$0x8600] =	vst v63  }
0x58: {  	s7 =	simm.s32 $0x4B00;
	s23 =	sand.u32 $0x1FFFFFF0, s21;
	s24 =	spop (v2sf)  }
0x59: {  	(v2sf) =	vpush v2, $0xD;
	[tilespmem:s0], [sflag:$0x1] =	stream.linear.gather [hbm4b:s22+s2], $0x80, $0x38;
	[tilespmem:$0x8600] =	vst v63  }
0x5a: {  	(v2sf) =	vpush v1, $0xD;
	s26 =	sadd.s32 s3, s23;
	s29 =	sand.u32 $0x1FFFFFF0, s24;
	s23 =	sadd.s32 $0x10, s15  }
0x5b: {  	(v2sf) =	vpush v2, $0xE;
	s24 =	sadd.s32 $0x10, s16;
	s30 =	sadd.s32 s4, s29;
	s31 =	spop (v2sf)  }
0x5c: {  	(v2sf) =	vpush v1, $0xE;
	[tilespmem:s25], [sflag:$0x1] =	stream.linear.gather [hbm4b:s26+s2], $0x80, $0x38;
	[tilespmem:$0x8600] =	vst v63  }
0x5d: {  	s26 =	simm.s32 $0xB00;
	(v2sf) =	vpush v2, $0xF;
	s0 =	sand.u32 $0x1FFFFFF0, s31;
	s1 =	spop (v2sf)  }
0x5e: {  	(v2sf) =	vpush v1, $0xF;
	[tilespmem:s5], [sflag:$0x1] =	stream.linear.gather [hbm4b:s30+s2], $0x80, $0x38;
	[tilespmem:$0x8600] =	vst v63  }
.LBB2_3:
0x5f: {  	_ =	sdelay $0x4  }
0x60: {  	s0 =	sadd.s32 s3, s0;
	s1 =	sand.u32 $0x1FFFFFF0, s1  }
0x61: {  	[tilespmem:s28], [sflag:$0x1] =	stream.linear.gather [hbm4b:s0+s2], $0x80, $0x38;
	[tilespmem:$0x8600] =	vst v63  }
0x62: {  	s15 =	sadd.s32 s4, s1  }
0x63: {  	[tilespmem:s13], [sflag:$0x1] =	stream.linear.gather [hbm4b:s15+s2], $0x80, $0x38;
	[tilespmem:$0x8600] =	vst v63  }
0x64: {  	s5 =	spop (v2sf)  }
0x65: {  	s16 =	sand.u32 $0x1FFFFFF0, s5;
	s20 =	spop (v2sf)  }
0x66: {  	s21 =	sadd.s32 s3, s16;
	s22 =	sand.u32 $0x1FFFFFF0, s20;
	s25 =	spop (v2sf)  }
0x67: {  	[tilespmem:s17], [sflag:$0x1] =	stream.linear.gather [hbm4b:s21+s2], $0x80, $0x38;
	[tilespmem:$0x8600] =	vst v63  }
0x68: {  	s29 =	sadd.s32 s4, s22;
	s30 =	sand.u32 $0x1FFFFFF0, s25;
	s31 =	spop (v2sf)  }
0x69: {  	[tilespmem:s10], [sflag:$0x1] =	stream.linear.gather [hbm4b:s29+s2], $0x80, $0x38;
	[tilespmem:$0x8600] =	vst v63  }
0x6a: {  	s1 =	sadd.s32 s3, s30;
	s5 =	sand.u32 $0x1FFFFFF0, s31;
	s6 =	spop (v2sf)  }
0x6b: {  	[tilespmem:s26], [sflag:$0x1] =	stream.linear.gather [hbm4b:s1+s2], $0x80, $0x38;
	[tilespmem:$0x8600] =	vst v63  }
0x6c: {  	s8 =	sadd.s32 s4, s5;
	s9 =	sand.u32 $0x1FFFFFF0, s6;
	s10 =	spop (v2sf)  }
0x6d: {  	[tilespmem:s7], [sflag:$0x1] =	stream.linear.gather [hbm4b:s8+s2], $0x80, $0x38;
	[tilespmem:$0x8600] =	vst v63  }
0x6e: {  	s13 =	sadd.s32 $0xB80, s18;
	s5 =	sand.u32 $0x1FFFFFF0, s10;
	s1 =	sadd.s32 s3, s9  }
0x6f: {  	[tilespmem:s13], [sflag:$0x1] =	stream.linear.gather [hbm4b:s1+s2], $0x80, $0x38;
	[tilespmem:$0x8600] =	vst v63  }
0x70: {  	s14 =	sadd.s32 $0x4B80, s18;
	s15 =	sadd.s32 s4, s5  }
0x71: {  	[tilespmem:s14], [sflag:$0x1] =	stream.linear.gather [hbm4b:s15+s2], $0x80, $0x38;
	[tilespmem:$0x8600] =	vst v63  }
0x72: {  	v1 =	vld [tilespmem:s24+$0x0]  }
0x73: {  	v3 =	vld [tilespmem:s23+$0x0];
	_ =	sdelay $0x3  }
0x74: {  	v2 =	vshll.u32 v1, $0x4  }
0x75: {  	s16 =	smov.u32 s19;
	v1 =	vshll.u32 v3, $0x4;
	(v2sf) =	vpush v2, $0x0  }
0x76: {  	p0 =	sne.s32 s19, $0xE000;
	s18 =	sshra.s32 s16, $0x2;
	(v2sf) =	vpush v1, $0x0  }
0x77: {  	s19 =	sadd.s32 $0x2000, s19;
	s0 =	sadd.s32 $0x680, s18;
	s17 =	sadd.s32 $0x880, s18;
	(v2sf) =	vpush v2, $0x1  }
0x78: {  	s16 =	sadd.s32 $0x600, s18;
	s20 =	sadd.s32 $0x4900, s18;
	[dreg:$0xd] =	wrdreg s0  }
0x79: {  	s31 =	sadd.s32 $0x500, s18;
	s30 =	sadd.s32 $0x4500, s18;
	[dreg:$0x7] =	wrdreg s17;
	(v2sf) =	vpush v1, $0x1  }
0x7a: {  	s21 =	sadd.s32 $0x4880, s18;
	s22 =	sadd.s32 $0x900, s18;
	[dreg:$0x5] =	wrdreg s20  }
0x7b: {  	s25 =	sadd.s32 $0x780, s18;
	s28 =	sadd.s32 $0xA00, s18;
	[dreg:$0x9] =	wrdreg s21;
	(v2sf) =	vpush v2, $0x2  }
0x7c: {  	s29 =	sadd.s32 $0x4400, s18;
	s20 =	sadd.s32 $0x580, s18;
	[dreg:$0x8] =	wrdreg s22  }
0x7d: {  	s0 =	sadd.s32 $0x4580, s18;
	s6 =	sadd.s32 $0x4980, s18;
	[dreg:$0xf] =	wrdreg s25;
	(v2sf) =	vpush v1, $0x2  }
0x7e: {  	s17 =	sadd.s32 $0xA80, s18;
	s22 =	sadd.s32 $0x800, s18;
	[dreg:$0x6] =	wrdreg s6;
	(v2sf) =	vpush v2, $0x3  }
0x7f: {  	s21 =	sadd.s32 $0x480, s18;
	s25 =	sadd.s32 $0x980, s18;
	[dreg:$0xc] =	wrdreg s22  }
0x80: {  	s10 =	sadd.s32 $0x4A80, s18;
	[dreg:$0xa] =	wrdreg s25;
	s26 =	sadd.s32 $0x4800, s18;
	(v2sf) =	vpush v1, $0x3  }
0x81: {  	s5 =	sadd.s32 $0x4A00, s18;
	s9 =	sadd.s32 $0x700, s18;
	[dreg:$0xb] =	wrdreg s26  }
0x82: {  	s26 =	sadd.s32 $0xB00, s18;
	s8 =	sadd.s32 $0x4600, s18;
	s7 =	sadd.s32 $0x4780, s18;
	(v2sf) =	vpush v2, $0x4  }
0x83: {  	[dreg:$0xe] =	wrdreg s7;
	s7 =	sadd.s32 $0x4B00, s18;
	s13 =	sadd.s32 $0x400, s18  }
0x84: {  	s1 =	sadd.s32 $0x4480, s18;
	s15 =	sadd.s32 $0x4680, s18;
	s22 =	spop (v2sf)  }
0x85: {  	s14 =	sadd.s32 $0x4700, s18;
	s22 =	sand.u32 $0x1FFFFFF0, s22;
	s25 =	spop (v2sf)  }
0x86: {  	(v2sf) =	vpush v1, $0x4;
	s22 =	sadd.s32 s3, s22;
	s25 =	sand.u32 $0x1FFFFFF0, s25;
	s6 =	spop (v2sf)  }
0x87: {  	[tilespmem:s13], [sflag:$0x1] =	stream.linear.gather [hbm4b:s22+s2], $0x80, $0x38;
	[tilespmem:$0x8600] =	vst v63  }
0x88: {  	(v2sf) =	vpush v2, $0x5;
	s22 =	sadd.s32 s4, s25;
	s6 =	sand.u32 $0x1FFFFFF0, s6;
	s25 =	spop (v2sf)  }
0x89: {  	(v2sf) =	vpush v1, $0x5;
	[tilespmem:s29], [sflag:$0x1] =	stream.linear.gather [hbm4b:s22+s2], $0x80, $0x38;
	[tilespmem:$0x8600] =	vst v63  }
0x8a: {  	s6 =	sadd.s32 s3, s6;
	s25 =	sand.u32 $0x1FFFFFF0, s25;
	s29 =	spop (v2sf)  }
0x8b: {  	(v2sf) =	vpush v2, $0x6;
	[tilespmem:s21], [sflag:$0x1] =	stream.linear.gather [hbm4b:s6+s2], $0x80, $0x38;
	[tilespmem:$0x8600] =	vst v63  }
0x8c: {  	s21 =	sadd.s32 s4, s25;
	s25 =	sand.u32 $0x1FFFFFF0, s29;
	s29 =	spop (v2sf)  }
0x8d: {  	(v2sf) =	vpush v1, $0x6;
	s22 =	sadd.s32 s3, s25;
	s25 =	sand.u32 $0x1FFFFFF0, s29;
	s29 =	spop (v2sf)  }
0x8e: {  	[tilespmem:s1], [sflag:$0x1] =	stream.linear.gather [hbm4b:s21+s2], $0x80, $0x38;
	[tilespmem:$0x8600] =	vst v63  }
0x8f: {  	s23 =	sadd.s32 $0x10, s23;
	s21 =	sadd.s32 s4, s25;
	s25 =	spop (v2sf)  }
0x90: {  	[tilespmem:s31], [sflag:$0x1] =	stream.linear.gather [hbm4b:s22+s2], $0x80, $0x38;
	[tilespmem:$0x8600] =	vst v63  }
0x91: {  	s24 =	sadd.s32 $0x10, s24;
	(v2sf) =	vpush v2, $0x7;
	s22 =	sand.u32 $0x1FFFFFF0, s29;
	s31 =	spop (v2sf)  }
0x92: {  	[tilespmem:s30], [sflag:$0x1] =	stream.linear.gather [hbm4b:s21+s2], $0x80, $0x38;
	[tilespmem:$0x8600] =	vst v63  }
0x93: {  	(v2sf) =	vpush v1, $0x7;
	s29 =	sadd.s32 s3, s22;
	s13 =	sand.u32 $0x1FFFFFF0, s31;
	s30 =	sand.u32 $0x1FFFFFF0, s25  }
0x94: {  	[tilespmem:s20], [sflag:$0x1] =	stream.linear.gather [hbm4b:s29+s2], $0x80, $0x38;
	[tilespmem:$0x8600] =	vst v63  }
0x95: {  	(v2sf) =	vpush v2, $0x8;
	s21 =	sadd.s32 s3, s13;
	s6 =	sadd.s32 s4, s30;
	s20 =	spop (v2sf)  }
0x96: {  	[tilespmem:s0], [sflag:$0x1] =	stream.linear.gather [hbm4b:s6+s2], $0x80, $0x38;
	[tilespmem:$0x8600] =	vst v63  }
0x97: {  	s13 =	smov.u32 s5;
	(v2sf) =	vpush v1, $0x8;
	s22 =	sand.u32 $0x1FFFFFF0, s20;
	s25 =	spop (v2sf)  }
0x98: {  	s20 =	rddreg [dreg:$0xd];
	s30 =	sand.u32 $0x1FFFFFF0, s25;
	s31 =	spop (v2sf)  }
0x99: {  	[tilespmem:s16], [sflag:$0x1] =	stream.linear.gather [hbm4b:s21+s2], $0x80, $0x38;
	[tilespmem:$0x8600] =	vst v63  }
0x9a: {  	(v2sf) =	vpush v2, $0x9;
	s29 =	sadd.s32 s4, s22;
	s5 =	sadd.s32 s3, s30;
	s16 =	spop (v2sf)  }
0x9b: {  	(v2sf) =	vpush v1, $0x9;
	[tilespmem:s8], [sflag:$0x1] =	stream.linear.gather [hbm4b:s29+s2], $0x80, $0x38;
	[tilespmem:$0x8600] =	vst v63  }
0x9c: {  	s8 =	sand.u32 $0x1FFFFFF0, s31;
	s22 =	sand.u32 $0x1FFFFFF0, s16;
	s25 =	spop (v2sf)  }
0x9d: {  	[tilespmem:s20], [sflag:$0x1] =	stream.linear.gather [hbm4b:s5+s2], $0x80, $0x38;
	[tilespmem:$0x8600] =	vst v63  }
0x9e: {  	s21 =	sadd.s32 s4, s8;
	s29 =	sadd.s32 s3, s22;
	s30 =	sand.u32 $0x1FFFFFF0, s25  }
0x9f: {  	(v2sf) =	vpush v2, $0xA;
	[tilespmem:s15], [sflag:$0x1] =	stream.linear.gather [hbm4b:s21+s2], $0x80, $0x38;
	[tilespmem:$0x8600] =	vst v63  }
0xa0: {  	s22 =	rddreg [dreg:$0xe];
	s31 =	spop (v2sf);
	s1 =	sadd.s32 s4, s30  }
0xa1: {  	(v2sf) =	vpush v1, $0xA;
	[tilespmem:s9], [sflag:$0x1] =	stream.linear.gather [hbm4b:s29+s2], $0x80, $0x38;
	[tilespmem:$0x8600] =	vst v63  }
0xa2: {  	s5 =	sand.u32 $0x1FFFFFF0, s31;
	s6 =	spop (v2sf);
	s31 =	rddreg [dreg:$0xc]  }
0xa3: {  	(v2sf) =	vpush v2, $0xB;
	[tilespmem:s14], [sflag:$0x1] =	stream.linear.gather [hbm4b:s1+s2], $0x80, $0x38;
	[tilespmem:$0x8600] =	vst v63  }
0xa4: {  	s8 =	sadd.s32 s3, s5;
	s15 =	rddreg [dreg:$0xf];
	s14 =	spop (v2sf)  }
0xa5: {  	(v2sf) =	vpush v1, $0xB;
	[tilespmem:s15], [sflag:$0x1] =	stream.linear.gather [hbm4b:s8+s2], $0x80, $0x38;
	[tilespmem:$0x8600] =	vst v63  }
0xa6: {  	s9 =	sand.u32 $0x1FFFFFF0, s6;
	s20 =	sand.u32 $0x1FFFFFF0, s14;
	s21 =	spop (v2sf)  }
0xa7: {  	s16 =	sadd.s32 s4, s9;
	s25 =	sadd.s32 s3, s20;
	s29 =	sand.u32 $0x1FFFFFF0, s21  }
0xa8: {  	(v2sf) =	vpush v2, $0xC;
	[tilespmem:s22], [sflag:$0x1] =	stream.linear.gather [hbm4b:s16+s2], $0x80, $0x38;
	[tilespmem:$0x8600] =	vst v63  }
0xa9: {  	s15 =	rddreg [dreg:$0xb];
	s30 =	spop (v2sf);
	s8 =	sadd.s32 s4, s29  }
0xaa: {  	(v2sf) =	vpush v1, $0xC;
	s9 =	sand.u32 $0x1FFFFFF0, s30;
	s14 =	spop (v2sf);
	s22 =	rddreg [dreg:$0x7]  }
0xab: {  	[tilespmem:s31], [sflag:$0x1] =	stream.linear.gather [hbm4b:s25+s2], $0x80, $0x38;
	[tilespmem:$0x8600] =	vst v63  }
0xac: {  	s16 =	sadd.s32 s3, s9;
	s20 =	sand.u32 $0x1FFFFFF0, s14;
	s9 =	rddreg [dreg:$0x8]  }
0xad: {  	[tilespmem:s15], [sflag:$0x1] =	stream.linear.gather [hbm4b:s8+s2], $0x80, $0x38;
	[tilespmem:$0x8600] =	vst v63  }
0xae: {  	s21 =	spop (v2sf);
	s25 =	sadd.s32 s4, s20;
	s31 =	rddreg [dreg:$0x9]  }
0xaf: {  	[tilespmem:s22], [sflag:$0x1] =	stream.linear.gather [hbm4b:s16+s2], $0x80, $0x38;
	[tilespmem:$0x8600] =	vst v63  }
0xb0: {  	s20 =	rddreg [dreg:$0x5];
	s29 =	sand.u32 $0x1FFFFFF0, s21;
	s30 =	spop (v2sf)  }
0xb1: {  	[tilespmem:s31], [sflag:$0x1] =	stream.linear.gather [hbm4b:s25+s2], $0x80, $0x38;
	[tilespmem:$0x8600] =	vst v63  }
0xb2: {  	s1 =	sadd.s32 s3, s29;
	s5 =	sand.u32 $0x1FFFFFF0, s30;
	s8 =	spop (v2sf)  }
0xb3: {  	[tilespmem:s9], [sflag:$0x1] =	stream.linear.gather [hbm4b:s1+s2], $0x80, $0x38;
	[tilespmem:$0x8600] =	vst v63  }
0xb4: {  	s29 =	rddreg [dreg:$0xa];
	s14 =	sadd.s32 s4, s5;
	s16 =	spop (v2sf)  }
0xb5: {  	(v2sf) =	vpush v2, $0xD;
	[tilespmem:s20], [sflag:$0x1] =	stream.linear.gather [hbm4b:s14+s2], $0x80, $0x38;
	[tilespmem:$0x8600] =	vst v63  }
.Ltmp0:
0xb6: {  	(v2sf) =	vpush v1, $0xD;
	s15 =	sand.u32 $0x1FFFFFF0, s8;
	s22 =	sand.u32 $0x1FFFFFF0, s16;
	(pc) =	sbr.rel @p0 .LBB2_3-.Ltmp0, $4  }
0xb7: {  	(v2sf) =	vpush v2, $0xE;
	s21 =	sadd.s32 s3, s15;
	s30 =	sadd.s32 s4, s22;
	s25 =	spop (v2sf)  }
0xb8: {  	(v2sf) =	vpush v1, $0xE;
	[tilespmem:s29], [sflag:$0x1] =	stream.linear.gather [hbm4b:s21+s2], $0x80, $0x38;
	[tilespmem:$0x8600] =	vst v63  }
0xb9: {  	(v2sf) =	vpush v2, $0xF;
	s31 =	rddreg [dreg:$0x6];
	s0 =	sand.u32 $0x1FFFFFF0, s25;
	s1 =	spop (v2sf)  }
0xba: {  	(v2sf) =	vpush v1, $0xF;
	[tilespmem:s31], [sflag:$0x1] =	stream.linear.gather [hbm4b:s30+s2], $0x80, $0x38;
	[tilespmem:$0x8600] =	vst v63  }
0xbb: {  	_ =	sdelay $0x4  }
0xbc: {  	s0 =	sadd.s32 s3, s0;
	s1 =	sand.u32 $0x1FFFFFF0, s1  }
0xbd: {  	[tilespmem:s28], [sflag:$0x1] =	stream.linear.gather [hbm4b:s0+s2], $0x80, $0x38;
	[tilespmem:$0x8600] =	vst v63  }
0xbe: {  	s1 =	sadd.s32 s4, s1  }
0xbf: {  	[tilespmem:s13], [sflag:$0x1] =	stream.linear.gather [hbm4b:s1+s2], $0x80, $0x38;
	[tilespmem:$0x8600] =	vst v63  }
0xc0: {  	s5 =	spop (v2sf)  }
0xc1: {  	s6 =	sand.u32 $0x1FFFFFF0, s5;
	s8 =	spop (v2sf)  }
0xc2: {  	s9 =	sadd.s32 s3, s6;
	s13 =	sand.u32 $0x1FFFFFF0, s8;
	s14 =	spop (v2sf)  }
0xc3: {  	[tilespmem:s17], [sflag:$0x1] =	stream.linear.gather [hbm4b:s9+s2], $0x80, $0x38;
	[tilespmem:$0x8600] =	vst v63  }
0xc4: {  	s15 =	sadd.s32 s4, s13;
	s16 =	sand.u32 $0x1FFFFFF0, s14;
	s17 =	spop (v2sf)  }
0xc5: {  	[tilespmem:s10], [sflag:$0x1] =	stream.linear.gather [hbm4b:s15+s2], $0x80, $0x38;
	[tilespmem:$0x8600] =	vst v63  }
0xc6: {  	s19 =	sadd.s32 s3, s16;
	s20 =	sand.u32 $0x1FFFFFF0, s17;
	s21 =	spop (v2sf)  }
0xc7: {  	[tilespmem:s26], [sflag:$0x1] =	stream.linear.gather [hbm4b:s19+s2], $0x80, $0x38;
	[tilespmem:$0x8600] =	vst v63  }
0xc8: {  	s22 =	sadd.s32 s4, s20;
	s23 =	sand.u32 $0x1FFFFFF0, s21;
	s24 =	spop (v2sf)  }
0xc9: {  	[tilespmem:s7], [sflag:$0x1] =	stream.linear.gather [hbm4b:s22+s2], $0x80, $0x38;
	[tilespmem:$0x8600] =	vst v63  }
0xca: {  	s25 =	sadd.s32 $0xB80, s18;
	s1 =	sadd.s32 s3, s23;
	s5 =	sand.u32 $0x1FFFFFF0, s24  }
0xcb: {  	[tilespmem:s25], [sflag:$0x1] =	stream.linear.gather [hbm4b:s1+s2], $0x80, $0x38;
	[tilespmem:$0x8600] =	vst v63  }
0xcc: {  	s29 =	simm.s32 $0x1;
	s26 =	sadd.s32 $0x4B80, s18;
	s28 =	sadd.s32 s4, s5  }
0xcd: {  	[tilespmem:s26], [sflag:$0x1] =	stream.linear.gather [hbm4b:s28+s2], $0x80, $0x38;
	[tilespmem:$0x8600] =	vst v63  }
0xce: {  	_ =	swait.ge [sflag:s29], $0x4000  }
0xcf: {  	[sflag:s29] =	ssyncset.done $0x0;
	s7 =	rddreg [dreg:$0x17]  }
0xd0: {  	[sflag:s29] =	ssyncadd.s32 $0xFFFFC000;
	s30 =	sshll.u32 s7, $0x7  }
0xd1: {  	s1 =	simm.s32 $0x0;
	_ =	swait.ge [sflag:s29], $0x4000;
	s0 =	sand.u32 $0x3FFFFF80, s30  }
0xd2: {  	[sflag:s29] =	ssyncset.done $0x0;
	s31 =	sadd.s32 $0x8400, s0;
	s15 =	rddreg [dreg:$0x15]  }
0xd3: {  	s0 =	simm.s32 $0x0;
	s16 =	rddreg [dreg:$0x16];
	[sflag:s29] =	ssyncadd.s32 $0xFFFFC000;
	v1 =	vmov s31  }
.LBB2_5:
0xd4: {  	s5 =	sshll.u32 s1, $0x4;
	v2 =	vmov s0  }
0xd5: {  	v3 =	vmov s5;
	v2 =	vand.u32 $0x7F, v2  }
0xd6: {  	v3 =	vshll.u32 v3, $0x7;
	v4 =	vbroadcast v2, $0x0  }
0xd7: {  	v2 =	vor.u32 v0, v3  }
0xd8: {  	s6 =	simm.s32 $0x1;
	v3 =	vor.u32 v2, v4  }
0xd9: {  	v4 =	vmov s6  }
0xda: {  	v4 =	vand.u32 $0x7F, v4  }
0xdb: {  	v4 =	vbroadcast v4, $0x0;
	_ =	sdelay $0x1  }
0xdc: {  	v5 =	vor.u32 v2, v4;
	v7 =	vld.idx.msk [tilespmem:v3+s11+$0x0], $0xffff  }
0xdd: {  	s31 =	simm.s32 $0x2;
	v8 =	vld.idx.msk [tilespmem:v3+s12+$0x0], $0xffff  }
0xde: {  	v3 =	vmov s31  }
0xdf: {  	v3 =	vand.u32 $0x7F, v3  }
0xe0: {  	v6 =	vbroadcast v3, $0x0  }
0xe1: {  	v3 =	vld.idx.msk [tilespmem:v5+s11+$0x0], $0xffff  }
0xe2: {  	s6 =	simm.s32 $0x3;
	v4 =	vimm.f32 $0.0e+00;
	v6 =	vor.u32 v2, v6;
	v5 =	vld.idx.msk [tilespmem:v5+s12+$0x0], $0xffff;
	v7 =	vmul.f32 v8, v7  }
.LBB2_6:
0xe3: {  	p0 =	sne.s32 s6, $0x1F  }
.Ltmp1:
0xe4: {  	v8 =	vmov s6;
	v4 =	vadd.f32 v7, v4;
	(pc) =	sbr.rel @p0 .LBB2_6-.Ltmp1, $4  }
0xe5: {  	s6 =	sadd.s32 $0x1, s6;
	v9 =	vand.u32 $0x7F, v8  }
0xe6: {  	v8 =	vbroadcast v9, $0x0  }
0xe7: {  	v7 =	vmov v3;
	v3 =	vld.idx.msk [tilespmem:v6+s11+$0x0], $0xffff  }
0xe8: {  	v7 =	vmul.f32 v5, v7;
	v5 =	vld.idx.msk [tilespmem:v6+s12+$0x0], $0xffff;
	v6 =	vor.u32 v2, v8  }
0xe9: {  	_ =	sdelay $0x3  }
0xea: {  	v2 =	vld.idx.msk [tilespmem:v6+s11+$0x0], $0xffff  }
0xeb: {  	v63 =	vld.idx.msk [tilespmem:v6+s12+$0x0], $0xffff;
	_ =	sdelay $0x2  }
0xec: {  	v4 =	vadd.f32 v7, v4;
	v3 =	vmul.f32 v5, v3;
	_ =	sdelay $0x1  }
0xed: {  	v2 =	vmul.f32 v63, v2;
	v3 =	vadd.f32 v3, v4;
	_ =	sdelay $0x1  }
0xee: {  	v2 =	vadd.f32 v2, v3;
	_ =	sdelay $0x1  }
0xef: {  	v2 =	vsub.f32 $0.0e+00, v2;
	_ =	sdelay $0x1  }
0xf0: {  	v2 =	vmul.f32 $1.442695020e+00, v2;
	_ =	sdelay $0x1  }
0xf1: {  	(erf) = vpow2.f32 v2;
	_ =	sdelay $0x8  }
0xf2: {  	v2 =	vpop (erf)  }
0xf3: {  	v2 =	vadd.f32 $1.000000000e+00, v2;
	_ =	sdelay $0x1  }
0xf4: {  	(erf) = vrcp.f32 v2;
	_ =	sdelay $0x3  }
0xf5: {  	s1 =	sadd.s32 $0x1, s1  }
0xf6: {  	p0 =	sne.s32 s1, $0x8  }
.Ltmp2:
0xf7: {  	_ = 	snop;
	(pc) =	sbr.rel @p0 .LBB2_5-.Ltmp2, $3  }
0xf8: {  	_ =	sdelay $0x1  }
0xf9: {  	v2 =	vpop (erf)  }
0xfa: {  	[tilespmem:v1+s5+$0x0 ss:$0x1] =	vst.idx.msk $0xffff, v2  }
0xfb: {  	s7 =	sadd.s32 $0x1, s7  }
0xfc: {  	p0 =	sne.s32 s7, $0x4  }
.Ltmp3:
0xfd: {  	_ = 	snop;
	(pc) =	sbr.rel @p0 .LBB2_2-.Ltmp3, $2  }
0xfe: {  	_ =	sdelay $0x2  }
0xff: {  	s15 =	sadd.s32 $0x80, s15;
	s16 =	sadd.s32 $0x80, s16  }
0x100: {  	s0 =	rddreg [dreg:$0x12];
	s1 =	simm.s32 $0x8400  }
0x101: {  	[hbm4b:s0+s2] =	stream.linear.scatter [tilespmem:s1], [sflag:$0x2], $0x200, $0x38;
	[tilespmem:$0x8600] =	vst v63  }
0x102: {  	s1 =	simm.s32 $0x2  }
0x103: {  	_ =	swait.ge [sflag:s1], $0x200  }
0x104: {  	s5 =	rddreg [dreg:$0x14]  }
0x105: {  	s31 =	rddreg [dreg:$0x13];
	s5 =	sadd.s32 $0x1, s5  }
0x106: {  	p0 =	sne.s32 s5, s31  }
.Ltmp4:
0x107: {  	_ = 	snop;
	(pc) =	sbr.rel @p0 .LBB2_1-.Ltmp4, $3  }
0x108: {  	_ =	sdelay $0x1  }
0x109: {  	[sflag:s1] =	ssyncset.done $0x0  }
0x10a: {  	[sflag:s1] =	ssyncadd.s32 $0xFFFFFE00  }
0x10b: {  	_ =	sfence.sel $0x180000  }
0x10c: {  	[bflag:$0x0] =	sbarrier.arrive $0xFFFF  }
0x10d: {  	_ =	strace $0x90000047  }
0x10e: {  	s0 =	stileid.u32;
	[bflag:$0x2] =	sbarrier.arrive $0xFFFF  }
0x10f: {  	p0 =	sne.s32 s0, $0x0;
	s0 =	rddreg [dreg:$0x4]  }
0x110: {  	s0 =	sadd.s32 @!p0 $0x100000, s0  }
0x111: {  	[sflag:s0] =	ssyncadd.tile.s32 @!p0 $0x1;
	_ =	shalt  }
.Lfunc_end2:
_tile_overlayer_lowered:
.L_overlay_start_2:
0x112: {  	(tag) =	ssettag $0x2  }
0x113: {  	s0 =	rddreg [dreg:$0x0];
	s2 =	stileid.u32  }
0x114: {  	s1 =	rddreg [dreg:$0x1];
	p0 =	sne.s32 s2, $0x0  }
0x115: {  	s3 =	rddreg [dreg:$0x2];
	[bflag:$0x3] =	sbarrier.arrive $0xFFFF;
	s2 =	simm.s32 @!p0 $0x1C02  }
0x116: {  	[timem:s3], [sflag:s2] =	dma.local @!p0 [hbm:s0], s1  }
0x117: {  	s0 =	simm.s32 @!p0 $0x2  }
0x118: {  	_ =	swait.ge @!p0 [sflag:s0], s1  }
0x119: {  	s1 =	ssub.s32 @!p0 $0x0, s1;
	[sflag:s0] =	ssyncset.done @!p0 $0x0  }
0x11a: {  	[sflag:s0] =	ssyncadd.s32 @!p0 s1  }
0x11b: {  	[bflag:$0x3] =	sbarrier.arrive $0xFFFF  }
0x11c: {  	_ =	shalt  }

</sc_bundles>
